<compile_context>
chip_gen: v7x
topology: tpu7x:2x2x1
jax: 0.10.2.dev20260603
libtpu: 0.0.44.dev20260713+nightly
codegen_flags: <defaults>
</compile_context>

<pallas_src>
import functools

import jax
import jax.numpy as jnp
from jax import lax
from jax.experimental import pallas as pl
from jax.experimental.pallas import tpu as pltpu
from jax.experimental.pallas import tpu_sc as plsc

B_BLK = 512
M_GRP = 32

_NC = 2
_NS = 16
_NW = _NC * _NS
_CHUNK = 128
_GRP = 4


def _assign_kernel(vecs_ref, cb_ref, idx_ref):
    K = cb_ref.shape[1]
    dsub = cb_ref.shape[2]
    mg = pl.program_id(0)
    cbs = [cb_ref[j] for j in range(M_GRP)]
    crosses = [
        jnp.dot(vecs_ref[:, j * dsub:(j + 1) * dsub], cbs[j].T,
                preferred_element_type=jnp.float32)
        for j in range(M_GRP)
    ]
    negk = ((K - 1) - lax.broadcasted_iota(
        jnp.int32, (B_BLK, K), 1)).astype(jnp.float32)
    cols = []
    for j in range(M_GRP):
        c_sq_half = 0.5 * jnp.sum(cbs[j] * cbs[j], axis=1)
        s = crosses[j] - c_sq_half[None, :]
        m = jnp.max(s, axis=1, keepdims=True)
        rk = jnp.where(s == m, negk, -1.0)
        best_rk = jnp.max(rk, axis=1, keepdims=True)
        k_best = (K - 1) - best_rk.astype(jnp.int32)
        cols.append((mg * M_GRP + j) * K + k_best)
    idx_ref[:, :] = jnp.concatenate(cols, axis=1)


def _make_lookup(n_rows, n_cb_rows, dsub):
    n_chunks = n_rows // _CHUNK
    per_w = n_chunks // _NW
    mesh = plsc.VectorSubcoreMesh(core_axis_name="c", subcore_axis_name="s")

    @functools.partial(
        pl.kernel,
        out_type=jax.ShapeDtypeStruct((n_chunks, _CHUNK, dsub), jnp.float32),
        mesh=mesh,
        scratch_types=[
            pltpu.VMEM((per_w, _CHUNK), jnp.int32),
            pltpu.VMEM((_GRP, _CHUNK, dsub), jnp.float32),
            pltpu.SemaphoreType.DMA,
        ],
        compiler_params=pltpu.CompilerParams(use_tc_tiling_on_sc=False),
    )
    def _lookup(cb_hbm, idx_hbm, out_hbm, idx_v, rows_v, sem):
        wid = lax.axis_index("s") * _NC + lax.axis_index("c")
        base = wid * per_w
        pltpu.sync_copy(idx_hbm.at[pl.ds(base, per_w)], idx_v)

        def body(g, carry):
            copies = [
                pltpu.async_copy(
                    cb_hbm.at[idx_v.at[g * _GRP + b]], rows_v.at[b], sem)
                for b in range(_GRP)
            ]
            for cp in copies:
                cp.wait()
            pltpu.sync_copy(rows_v, out_hbm.at[pl.ds(base + g * _GRP, _GRP)])
            return carry

        lax.fori_loop(0, per_w // _GRP, body, 0)

    return _lookup


_NSPLIT = 1


def kernel(vecs, codebook):
    B, D = vecs.shape
    M, K, dsub = codebook.shape
    cb_flat = codebook.reshape(M * K, dsub)
    bc = B // _NSPLIT

    def assign(v):
        return pl.pallas_call(
            _assign_kernel,
            grid=(M // M_GRP, bc // B_BLK),
            in_specs=[
                pl.BlockSpec((B_BLK, M_GRP * dsub), lambda mg, i: (i, mg)),
                pl.BlockSpec((M_GRP, K, dsub), lambda mg, i: (mg, 0, 0)),
            ],
            out_specs=pl.BlockSpec((B_BLK, M_GRP), lambda mg, i: (i, mg)),
            out_shape=jax.ShapeDtypeStruct((bc, M), jnp.int32),
            compiler_params=pltpu.CompilerParams(
                dimension_semantics=("parallel", "parallel"),
            ),
        )(v, codebook)

    lookup = _make_lookup(bc * M, M * K, dsub)
    idxs = [assign(vecs[g * bc:(g + 1) * bc]) for g in range(_NSPLIT)]
    rows = [lookup(cb_flat, ix.reshape(-1, _CHUNK)) for ix in idxs]
    return jnp.concatenate([r.reshape(bc, D) for r in rows], axis=0)

# --- scband reference (transcript-rebuilt; emitter-appended) ---
"""Pipeline reference for scband-quantization-3401614099091 (READ-ONLY COPY).

The authoritative reference and input builder live on the scoring server;
editing this copy changes nothing except your own understanding.
"""

import jax, jax.numpy as jnp
import numpy as np


def setup_inputs(seed: int = 0) -> dict:
    key = jax.random.key(seed)
    k1, k2 = jax.random.split(key)
    vecs = jax.random.normal(k1, (4096, 1024), dtype=jnp.float32)
    # learned PQ codebook parameter: [subvector_num M, ksub K, dsub]
    codebook = jax.random.normal(k2, (32, 512, 32), dtype=jnp.float32)
    return {"vecs": vecs, "codebook": codebook}


def reference(vecs, codebook):
    # Faithful PQ pipeline: embedding_compression (code_selection + argmax index)
    # followed by quantized_vecs (STE hard one-hot matmul with the codebook).
    # rotate is None so rotate_vec is identity.
    B = vecs.shape[0]
    M, K, dsub = codebook.shape
    v = vecs.reshape(B, M, dsub)
    # code_selection: proba = -sum((v - c)^2) expanded algebraically
    # (identical math to -sum((v.unsqueeze(-2) - codebook)**2, -1), avoids a
    #  B*M*K*dsub intermediate)
    v_sq = jnp.sum(v * v, axis=-1, keepdims=True)              # [B, M, 1]
    c_sq = jnp.sum(codebook * codebook, axis=-1)               # [M, K]
    cross = jnp.einsum('bmd,mkd->bmk', v, codebook)            # [B, M, K]
    proba = -(v_sq - 2.0 * cross + c_sq[None, :, :])           # [B, M, K]
    assign = jax.nn.softmax(proba, axis=-1)
    # get_index: hard argmax over codes
    index = jnp.argmax(assign, axis=-1)                        # [B, M]
    # STEstimator: hard one-hot assignment, detached
    assign_hard = jax.lax.stop_gradient(
        jax.nn.one_hot(index, K, dtype=vecs.dtype))            # [B, M, K]
    # quantized_vecs: [B,M,1,K] @ [B,M,K,dsub] -> [B,M,dsub]
    quant = jnp.einsum('bmk,mkd->bmd', assign_hard, codebook)
    return quant.reshape(B, M * dsub)

if __name__ == "__main__":
    import jax
    _d = setup_inputs()
    print(jax.jit(kernel)(*tuple(_d.values())))

</pallas_src>

<mosaic_0001>
#map = affine_map<(d0, d1) -> (0, 0)>
#map1 = affine_map<(d0, d1) -> (0, 0, 0)>
module attributes {stable_mosaic.version = 14 : i64} {
  func.func @_lookup(%arg0: i32, %arg1: i32, %arg2: memref<16384x32xf32, #tpu.memory_space<hbm>>, %arg3: memref<1024x128xi32, #tpu.memory_space<hbm>>, %arg4: memref<1024x128x32xf32, #tpu.memory_space<hbm>>, %arg5: memref<32x128xi32, #tpu.memory_space<vmem>>, %arg6: memref<4x128x32xf32, #tpu.memory_space<vmem>>, %arg7: memref<!tpu.dma_semaphore, #tpu.memory_space<semaphore_mem>>) attributes {dimension_semantics = [#tpu.dimension_semantics<core_parallel>, #tpu.dimension_semantics<subcore_parallel>], iteration_bounds = array<i64: 2, 16>, scalar_prefetch = 0 : i64, scratch_operands = 3 : i64, tpu.core_type = #tpu.core_type<sc_vector_subcore>, window_params = [{transform_indices = #map}, {transform_indices = #map}, {transform_indices = #map1}]} {
    %mul3A = arith.constant 2 : i32
    %mul3A_0 = arith.muli %arg1, %mul3A : i32
    %add3A = arith.addi %mul3A_0, %arg0 : i32
    %mul3A_1 = arith.constant 32 : i32
    %mul3A_2 = arith.muli %add3A, %mul3A_1 : i32
    "tpu.region"() ({
      %run_scoped3A = tpu.sem_alloc : memref<!tpu.dma_semaphore, #tpu.memory_space<semaphore_mem>>
      %dma_start3A = arith.constant 0 : i32
      %dma_start3A_8 = tpu.memref_slice %arg3[%mul3A_2, %dma_start3A] : memref<1024x128xi32, #tpu.memory_space<hbm>> -> memref<32x128xi32, #tpu.memory_space<hbm>>
      %dma_start3A_9 = arith.constant 0 : i32
      %dma_start3A_10 = tpu.memref_slice %arg3[%mul3A_2, %dma_start3A_9] : memref<1024x128xi32, #tpu.memory_space<hbm>> -> memref<32x128xi32, #tpu.memory_space<hbm>>
      tpu.enqueue_dma source(%dma_start3A_10 : memref<32x128xi32, #tpu.memory_space<hbm>>) target(%arg5 : memref<32x128xi32, #tpu.memory_space<vmem>>) target_semaphore(%run_scoped3A : memref<!tpu.dma_semaphore, #tpu.memory_space<semaphore_mem>>)
      %dma_wait3A = arith.constant 0 : i32
      %dma_wait3A_11 = tpu.memref_slice %arg3[%mul3A_2, %dma_wait3A] : memref<1024x128xi32, #tpu.memory_space<hbm>> -> memref<32x128xi32, #tpu.memory_space<hbm>>
      %dma_wait3A_12 = arith.constant 0 : i32
      %dma_wait3A_13 = tpu.memref_slice %arg3[%mul3A_2, %dma_wait3A_12] : memref<1024x128xi32, #tpu.memory_space<hbm>> -> memref<32x128xi32, #tpu.memory_space<hbm>>
      tpu.wait_dma2 semaphore(%run_scoped3A : memref<!tpu.dma_semaphore, #tpu.memory_space<semaphore_mem>>) src(%dma_wait3A_13 : memref<32x128xi32, #tpu.memory_space<hbm>>) dst(%arg5 : memref<32x128xi32, #tpu.memory_space<vmem>>)
      tpu.yield
    }) : () -> ()
    %scan3A = arith.constant 0 : i32
    %scan3A_3 = arith.constant 0 : i32
    %scan3A_4 = arith.constant 8 : i32
    %scan3A_5 = arith.addi %scan3A_3, %scan3A_4 : i32
    %scan3A_6 = arith.constant 1 : i32
    scf.for %scan3A_8 = %scan3A_3 to %scan3A_5 step %scan3A_6  : i32 {
      %mul3A_9 = arith.constant 4 : i32
      %mul3A_10 = arith.muli %scan3A_8, %mul3A_9 : i32
      %add3A_11 = arith.constant 0 : i32
      %add3A_12 = arith.addi %mul3A_10, %add3A_11 : i32
      %dma_start3A = arith.constant 0 : i32
      %dma_start3A_13 = arith.constant 0 : i32
      %dma_start3A_14 = arith.constant 0 : i32
      %dma_start3A_15 = tpu.memref_slice %arg6[%dma_start3A, %dma_start3A_13, %dma_start3A_14] : memref<4x128x32xf32, #tpu.memory_space<vmem>> -> memref<1x128x32xf32, #tpu.memory_space<vmem>>
      %dma_start3A_16 = tpu.memref_squeeze %dma_start3A_15 : memref<1x128x32xf32, #tpu.memory_space<vmem>> -> memref<128x32xf32, #tpu.memory_space<vmem>>
      %dma_start3A_17 = arith.constant 0 : i32
      %dma_start3A_18 = tpu.memref_slice %arg5[%add3A_12, %dma_start3A_17] : memref<32x128xi32, #tpu.memory_space<vmem>> -> memref<1x128xi32, #tpu.memory_space<vmem>>
      %dma_start3A_19 = tpu.memref_squeeze %dma_start3A_18 : memref<1x128xi32, #tpu.memory_space<vmem>> -> memref<128xi32, #tpu.memory_space<vmem>>
      %dma_start3A_20 = arith.constant 0 : i32
      %dma_start3A_21 = arith.constant 0 : i32
      %dma_start3A_22 = tpu.memref_slice %arg2[%dma_start3A_20, %dma_start3A_21] : memref<16384x32xf32, #tpu.memory_space<hbm>> -> memref<16384x32xf32, #tpu.memory_space<hbm>>
      tpu.enqueue_indirect_dma source(%dma_start3A_22 : memref<16384x32xf32, #tpu.memory_space<hbm>>) target(%dma_start3A_16 : memref<128x32xf32, #tpu.memory_space<vmem>>) offsets(%dma_start3A_19 : memref<128xi32, #tpu.memory_space<vmem>>) semaphore(%arg7 : memref<!tpu.dma_semaphore, #tpu.memory_space<semaphore_mem>>)
      %mul3A_23 = arith.constant 4 : i32
      %mul3A_24 = arith.muli %scan3A_8, %mul3A_23 : i32
      %add3A_25 = arith.constant 1 : i32
      %add3A_26 = arith.addi %mul3A_24, %add3A_25 : i32
      %dma_start3A_27 = arith.constant 1 : i32
      %dma_start3A_28 = arith.constant 0 : i32
      %dma_start3A_29 = arith.constant 0 : i32
      %dma_start3A_30 = tpu.memref_slice %arg6[%dma_start3A_27, %dma_start3A_28, %dma_start3A_29] : memref<4x128x32xf32, #tpu.memory_space<vmem>> -> memref<1x128x32xf32, #tpu.memory_space<vmem>>
      %dma_start3A_31 = tpu.memref_squeeze %dma_start3A_30 : memref<1x128x32xf32, #tpu.memory_space<vmem>> -> memref<128x32xf32, #tpu.memory_space<vmem>>
      %dma_start3A_32 = arith.constant 0 : i32
      %dma_start3A_33 = tpu.memref_slice %arg5[%add3A_26, %dma_start3A_32] : memref<32x128xi32, #tpu.memory_space<vmem>> -> memref<1x128xi32, #tpu.memory_space<vmem>>
      %dma_start3A_34 = tpu.memref_squeeze %dma_start3A_33 : memref<1x128xi32, #tpu.memory_space<vmem>> -> memref<128xi32, #tpu.memory_space<vmem>>
      %dma_start3A_35 = arith.constant 0 : i32
      %dma_start3A_36 = arith.constant 0 : i32
      %dma_start3A_37 = tpu.memref_slice %arg2[%dma_start3A_35, %dma_start3A_36] : memref<16384x32xf32, #tpu.memory_space<hbm>> -> memref<16384x32xf32, #tpu.memory_space<hbm>>
      tpu.enqueue_indirect_dma source(%dma_start3A_37 : memref<16384x32xf32, #tpu.memory_space<hbm>>) target(%dma_start3A_31 : memref<128x32xf32, #tpu.memory_space<vmem>>) offsets(%dma_start3A_34 : memref<128xi32, #tpu.memory_space<vmem>>) semaphore(%arg7 : memref<!tpu.dma_semaphore, #tpu.memory_space<semaphore_mem>>)
      %mul3A_38 = arith.constant 4 : i32
      %mul3A_39 = arith.muli %scan3A_8, %mul3A_38 : i32
      %add3A_40 = arith.constant 2 : i32
      %add3A_41 = arith.addi %mul3A_39, %add3A_40 : i32
      %dma_start3A_42 = arith.constant 2 : i32
      %dma_start3A_43 = arith.constant 0 : i32
      %dma_start3A_44 = arith.constant 0 : i32
      %dma_start3A_45 = tpu.memref_slice %arg6[%dma_start3A_42, %dma_start3A_43, %dma_start3A_44] : memref<4x128x32xf32, #tpu.memory_space<vmem>> -> memref<1x128x32xf32, #tpu.memory_space<vmem>>
      %dma_start3A_46 = tpu.memref_squeeze %dma_start3A_45 : memref<1x128x32xf32, #tpu.memory_space<vmem>> -> memref<128x32xf32, #tpu.memory_space<vmem>>
      %dma_start3A_47 = arith.constant 0 : i32
      %dma_start3A_48 = tpu.memref_slice %arg5[%add3A_41, %dma_start3A_47] : memref<32x128xi32, #tpu.memory_space<vmem>> -> memref<1x128xi32, #tpu.memory_space<vmem>>
      %dma_start3A_49 = tpu.memref_squeeze %dma_start3A_48 : memref<1x128xi32, #tpu.memory_space<vmem>> -> memref<128xi32, #tpu.memory_space<vmem>>
      %dma_start3A_50 = arith.constant 0 : i32
      %dma_start3A_51 = arith.constant 0 : i32
      %dma_start3A_52 = tpu.memref_slice %arg2[%dma_start3A_50, %dma_start3A_51] : memref<16384x32xf32, #tpu.memory_space<hbm>> -> memref<16384x32xf32, #tpu.memory_space<hbm>>
      tpu.enqueue_indirect_dma source(%dma_start3A_52 : memref<16384x32xf32, #tpu.memory_space<hbm>>) target(%dma_start3A_46 : memref<128x32xf32, #tpu.memory_space<vmem>>) offsets(%dma_start3A_49 : memref<128xi32, #tpu.memory_space<vmem>>) semaphore(%arg7 : memref<!tpu.dma_semaphore, #tpu.memory_space<semaphore_mem>>)
      %mul3A_53 = arith.constant 4 : i32
      %mul3A_54 = arith.muli %scan3A_8, %mul3A_53 : i32
      %add3A_55 = arith.constant 3 : i32
      %add3A_56 = arith.addi %mul3A_54, %add3A_55 : i32
      %dma_start3A_57 = arith.constant 3 : i32
      %dma_start3A_58 = arith.constant 0 : i32
      %dma_start3A_59 = arith.constant 0 : i32
      %dma_start3A_60 = tpu.memref_slice %arg6[%dma_start3A_57, %dma_start3A_58, %dma_start3A_59] : memref<4x128x32xf32, #tpu.memory_space<vmem>> -> memref<1x128x32xf32, #tpu.memory_space<vmem>>
      %dma_start3A_61 = tpu.memref_squeeze %dma_start3A_60 : memref<1x128x32xf32, #tpu.memory_space<vmem>> -> memref<128x32xf32, #tpu.memory_space<vmem>>
      %dma_start3A_62 = arith.constant 0 : i32
      %dma_start3A_63 = tpu.memref_slice %arg5[%add3A_56, %dma_start3A_62] : memref<32x128xi32, #tpu.memory_space<vmem>> -> memref<1x128xi32, #tpu.memory_space<vmem>>
      %dma_start3A_64 = tpu.memref_squeeze %dma_start3A_63 : memref<1x128xi32, #tpu.memory_space<vmem>> -> memref<128xi32, #tpu.memory_space<vmem>>
      %dma_start3A_65 = arith.constant 0 : i32
      %dma_start3A_66 = arith.constant 0 : i32
      %dma_start3A_67 = tpu.memref_slice %arg2[%dma_start3A_65, %dma_start3A_66] : memref<16384x32xf32, #tpu.memory_space<hbm>> -> memref<16384x32xf32, #tpu.memory_space<hbm>>
      tpu.enqueue_indirect_dma source(%dma_start3A_67 : memref<16384x32xf32, #tpu.memory_space<hbm>>) target(%dma_start3A_61 : memref<128x32xf32, #tpu.memory_space<vmem>>) offsets(%dma_start3A_64 : memref<128xi32, #tpu.memory_space<vmem>>) semaphore(%arg7 : memref<!tpu.dma_semaphore, #tpu.memory_space<semaphore_mem>>)
      %dma_wait3A = arith.constant 0 : i32
      %dma_wait3A_68 = arith.constant 0 : i32
      %dma_wait3A_69 = arith.constant 0 : i32
      %dma_wait3A_70 = tpu.memref_slice %arg6[%dma_wait3A, %dma_wait3A_68, %dma_wait3A_69] : memref<4x128x32xf32, #tpu.memory_space<vmem>> -> memref<1x128x32xf32, #tpu.memory_space<vmem>>
      %dma_wait3A_71 = tpu.memref_squeeze %dma_wait3A_70 : memref<1x128x32xf32, #tpu.memory_space<vmem>> -> memref<128x32xf32, #tpu.memory_space<vmem>>
      %dma_wait3A_72 = arith.constant 0 : i32
      %dma_wait3A_73 = tpu.memref_slice %arg5[%add3A_12, %dma_wait3A_72] : memref<32x128xi32, #tpu.memory_space<vmem>> -> memref<1x128xi32, #tpu.memory_space<vmem>>
      %dma_wait3A_74 = tpu.memref_squeeze %dma_wait3A_73 : memref<1x128xi32, #tpu.memory_space<vmem>> -> memref<128xi32, #tpu.memory_space<vmem>>
      %dma_wait3A_75 = arith.constant 0 : i32
      %dma_wait3A_76 = arith.constant 0 : i32
      %dma_wait3A_77 = tpu.memref_slice %arg2[%dma_wait3A_75, %dma_wait3A_76] : memref<16384x32xf32, #tpu.memory_space<hbm>> -> memref<16384x32xf32, #tpu.memory_space<hbm>>
      tpu.wait_indirect_dma semaphore(%arg7 : memref<!tpu.dma_semaphore, #tpu.memory_space<semaphore_mem>>) src(%dma_wait3A_77 : memref<16384x32xf32, #tpu.memory_space<hbm>>) dst(%dma_wait3A_71 : memref<128x32xf32, #tpu.memory_space<vmem>>)
      %dma_wait3A_78 = arith.constant 1 : i32
      %dma_wait3A_79 = arith.constant 0 : i32
      %dma_wait3A_80 = arith.constant 0 : i32
      %dma_wait3A_81 = tpu.memref_slice %arg6[%dma_wait3A_78, %dma_wait3A_79, %dma_wait3A_80] : memref<4x128x32xf32, #tpu.memory_space<vmem>> -> memref<1x128x32xf32, #tpu.memory_space<vmem>>
      %dma_wait3A_82 = tpu.memref_squeeze %dma_wait3A_81 : memref<1x128x32xf32, #tpu.memory_space<vmem>> -> memref<128x32xf32, #tpu.memory_space<vmem>>
      %dma_wait3A_83 = arith.constant 0 : i32
      %dma_wait3A_84 = tpu.memref_slice %arg5[%add3A_26, %dma_wait3A_83] : memref<32x128xi32, #tpu.memory_space<vmem>> -> memref<1x128xi32, #tpu.memory_space<vmem>>
      %dma_wait3A_85 = tpu.memref_squeeze %dma_wait3A_84 : memref<1x128xi32, #tpu.memory_space<vmem>> -> memref<128xi32, #tpu.memory_space<vmem>>
      %dma_wait3A_86 = arith.constant 0 : i32
      %dma_wait3A_87 = arith.constant 0 : i32
      %dma_wait3A_88 = tpu.memref_slice %arg2[%dma_wait3A_86, %dma_wait3A_87] : memref<16384x32xf32, #tpu.memory_space<hbm>> -> memref<16384x32xf32, #tpu.memory_space<hbm>>
      tpu.wait_indirect_dma semaphore(%arg7 : memref<!tpu.dma_semaphore, #tpu.memory_space<semaphore_mem>>) src(%dma_wait3A_88 : memref<16384x32xf32, #tpu.memory_space<hbm>>) dst(%dma_wait3A_82 : memref<128x32xf32, #tpu.memory_space<vmem>>)
      %dma_wait3A_89 = arith.constant 2 : i32
      %dma_wait3A_90 = arith.constant 0 : i32
      %dma_wait3A_91 = arith.constant 0 : i32
      %dma_wait3A_92 = tpu.memref_slice %arg6[%dma_wait3A_89, %dma_wait3A_90, %dma_wait3A_91] : memref<4x128x32xf32, #tpu.memory_space<vmem>> -> memref<1x128x32xf32, #tpu.memory_space<vmem>>
      %dma_wait3A_93 = tpu.memref_squeeze %dma_wait3A_92 : memref<1x128x32xf32, #tpu.memory_space<vmem>> -> memref<128x32xf32, #tpu.memory_space<vmem>>
      %dma_wait3A_94 = arith.constant 0 : i32
      %dma_wait3A_95 = tpu.memref_slice %arg5[%add3A_41, %dma_wait3A_94] : memref<32x128xi32, #tpu.memory_space<vmem>> -> memref<1x128xi32, #tpu.memory_space<vmem>>
      %dma_wait3A_96 = tpu.memref_squeeze %dma_wait3A_95 : memref<1x128xi32, #tpu.memory_space<vmem>> -> memref<128xi32, #tpu.memory_space<vmem>>
      %dma_wait3A_97 = arith.constant 0 : i32
      %dma_wait3A_98 = arith.constant 0 : i32
      %dma_wait3A_99 = tpu.memref_slice %arg2[%dma_wait3A_97, %dma_wait3A_98] : memref<16384x32xf32, #tpu.memory_space<hbm>> -> memref<16384x32xf32, #tpu.memory_space<hbm>>
      tpu.wait_indirect_dma semaphore(%arg7 : memref<!tpu.dma_semaphore, #tpu.memory_space<semaphore_mem>>) src(%dma_wait3A_99 : memref<16384x32xf32, #tpu.memory_space<hbm>>) dst(%dma_wait3A_93 : memref<128x32xf32, #tpu.memory_space<vmem>>)
      %dma_wait3A_100 = arith.constant 3 : i32
      %dma_wait3A_101 = arith.constant 0 : i32
      %dma_wait3A_102 = arith.constant 0 : i32
      %dma_wait3A_103 = tpu.memref_slice %arg6[%dma_wait3A_100, %dma_wait3A_101, %dma_wait3A_102] : memref<4x128x32xf32, #tpu.memory_space<vmem>> -> memref<1x128x32xf32, #tpu.memory_space<vmem>>
      %dma_wait3A_104 = tpu.memref_squeeze %dma_wait3A_103 : memref<1x128x32xf32, #tpu.memory_space<vmem>> -> memref<128x32xf32, #tpu.memory_space<vmem>>
      %dma_wait3A_105 = arith.constant 0 : i32
      %dma_wait3A_106 = tpu.memref_slice %arg5[%add3A_56, %dma_wait3A_105] : memref<32x128xi32, #tpu.memory_space<vmem>> -> memref<1x128xi32, #tpu.memory_space<vmem>>
      %dma_wait3A_107 = tpu.memref_squeeze %dma_wait3A_106 : memref<1x128xi32, #tpu.memory_space<vmem>> -> memref<128xi32, #tpu.memory_space<vmem>>
      %dma_wait3A_108 = arith.constant 0 : i32
      %dma_wait3A_109 = arith.constant 0 : i32
      %dma_wait3A_110 = tpu.memref_slice %arg2[%dma_wait3A_108, %dma_wait3A_109] : memref<16384x32xf32, #tpu.memory_space<hbm>> -> memref<16384x32xf32, #tpu.memory_space<hbm>>
      tpu.wait_indirect_dma semaphore(%arg7 : memref<!tpu.dma_semaphore, #tpu.memory_space<semaphore_mem>>) src(%dma_wait3A_110 : memref<16384x32xf32, #tpu.memory_space<hbm>>) dst(%dma_wait3A_104 : memref<128x32xf32, #tpu.memory_space<vmem>>)
      %mul3A_111 = arith.constant 4 : i32
      %mul3A_112 = arith.muli %scan3A_8, %mul3A_111 : i32
      %add3A_113 = arith.addi %mul3A_2, %mul3A_112 : i32
      "tpu.region"() ({
        %run_scoped3A = tpu.sem_alloc : memref<!tpu.dma_semaphore, #tpu.memory_space<semaphore_mem>>
        %dma_start3A_114 = arith.constant 0 : i32
        %dma_start3A_115 = arith.constant 0 : i32
        %dma_start3A_116 = tpu.memref_slice %arg4[%add3A_113, %dma_start3A_114, %dma_start3A_115] : memref<1024x128x32xf32, #tpu.memory_space<hbm>> -> memref<4x128x32xf32, #tpu.memory_space<hbm>>
        %dma_start3A_117 = arith.constant 0 : i32
        %dma_start3A_118 = arith.constant 0 : i32
        %dma_start3A_119 = tpu.memref_slice %arg4[%add3A_113, %dma_start3A_117, %dma_start3A_118] : memref<1024x128x32xf32, #tpu.memory_space<hbm>> -> memref<4x128x32xf32, #tpu.memory_space<hbm>>
        tpu.enqueue_dma source(%arg6 : memref<4x128x32xf32, #tpu.memory_space<vmem>>) target(%dma_start3A_119 : memref<4x128x32xf32, #tpu.memory_space<hbm>>) target_semaphore(%run_scoped3A : memref<!tpu.dma_semaphore, #tpu.memory_space<semaphore_mem>>)
        %dma_wait3A_120 = arith.constant 0 : i32
        %dma_wait3A_121 = arith.constant 0 : i32
        %dma_wait3A_122 = tpu.memref_slice %arg4[%add3A_113, %dma_wait3A_120, %dma_wait3A_121] : memref<1024x128x32xf32, #tpu.memory_space<hbm>> -> memref<4x128x32xf32, #tpu.memory_space<hbm>>
        %dma_wait3A_123 = arith.constant 0 : i32
        %dma_wait3A_124 = arith.constant 0 : i32
        %dma_wait3A_125 = tpu.memref_slice %arg4[%add3A_113, %dma_wait3A_123, %dma_wait3A_124] : memref<1024x128x32xf32, #tpu.memory_space<hbm>> -> memref<4x128x32xf32, #tpu.memory_space<hbm>>
        tpu.wait_dma2 semaphore(%run_scoped3A : memref<!tpu.dma_semaphore, #tpu.memory_space<semaphore_mem>>) src(%arg6 : memref<4x128x32xf32, #tpu.memory_space<vmem>>) dst(%dma_wait3A_125 : memref<4x128x32xf32, #tpu.memory_space<hbm>>)
        tpu.yield
      }) : () -> ()
    }
    %scan3A_7 = arith.constant 8 : i32
    return
  }
}

module attributes {stable_mosaic.version = 14 : i64} {
  func.func @_assign_kernel(%arg0: i32, %arg1: i32, %arg2: memref<512x1024xf32, #tpu.memory_space<vmem>>, %arg3: memref<32x512x32xf32, #tpu.memory_space<vmem>>, %arg4: memref<512x32xi32, #tpu.memory_space<vmem>>) attributes {dimension_semantics = [#tpu.dimension_semantics<parallel>, #tpu.dimension_semantics<parallel>], iteration_bounds = array<i64: 1, 8>, scalar_prefetch = 0 : i64, scratch_operands = 0 : i64, tpu.core_type = #tpu.core_type<tc>, window_params = [{transform_indices = @transform_0, window_bounds = array<i64: 512, 1024>}, {transform_indices = @transform_1, window_bounds = array<i64: 32, 512, 32>}, {transform_indices = @transform_2, window_bounds = array<i64: 512, 32>}]} {
    %get3A = arith.constant 0 : index
    %get3A_0 = arith.constant 0 : index
    %get3A_1 = arith.constant 0 : index
    %get3A_2 = vector.load %arg3[%get3A, %get3A_0, %get3A_1] : memref<32x512x32xf32, #tpu.memory_space<vmem>>, vector<1x512x32xf32>
    %get3A_3 = vector.shape_cast %get3A_2 : vector<1x512x32xf32> to vector<512x32xf32>
    %get3A_4 = arith.constant 1 : index
    %get3A_5 = arith.constant 0 : index
    %get3A_6 = arith.constant 0 : index
    %get3A_7 = vector.load %arg3[%get3A_4, %get3A_5, %get3A_6] : memref<32x512x32xf32, #tpu.memory_space<vmem>>, vector<1x512x32xf32>
    %get3A_8 = vector.shape_cast %get3A_7 : vector<1x512x32xf32> to vector<512x32xf32>
    %get3A_9 = arith.constant 2 : index
    %get3A_10 = arith.constant 0 : index
    %get3A_11 = arith.constant 0 : index
    %get3A_12 = vector.load %arg3[%get3A_9, %get3A_10, %get3A_11] : memref<32x512x32xf32, #tpu.memory_space<vmem>>, vector<1x512x32xf32>
    %get3A_13 = vector.shape_cast %get3A_12 : vector<1x512x32xf32> to vector<512x32xf32>
    %get3A_14 = arith.constant 3 : index
    %get3A_15 = arith.constant 0 : index
    %get3A_16 = arith.constant 0 : index
    %get3A_17 = vector.load %arg3[%get3A_14, %get3A_15, %get3A_16] : memref<32x512x32xf32, #tpu.memory_space<vmem>>, vector<1x512x32xf32>
    %get3A_18 = vector.shape_cast %get3A_17 : vector<1x512x32xf32> to vector<512x32xf32>
    %get3A_19 = arith.constant 4 : index
    %get3A_20 = arith.constant 0 : index
    %get3A_21 = arith.constant 0 : index
    %get3A_22 = vector.load %arg3[%get3A_19, %get3A_20, %get3A_21] : memref<32x512x32xf32, #tpu.memory_space<vmem>>, vector<1x512x32xf32>
    %get3A_23 = vector.shape_cast %get3A_22 : vector<1x512x32xf32> to vector<512x32xf32>
    %get3A_24 = arith.constant 5 : index
    %get3A_25 = arith.constant 0 : index
    %get3A_26 = arith.constant 0 : index
    %get3A_27 = vector.load %arg3[%get3A_24, %get3A_25, %get3A_26] : memref<32x512x32xf32, #tpu.memory_space<vmem>>, vector<1x512x32xf32>
    %get3A_28 = vector.shape_cast %get3A_27 : vector<1x512x32xf32> to vector<512x32xf32>
    %get3A_29 = arith.constant 6 : index
    %get3A_30 = arith.constant 0 : index
    %get3A_31 = arith.constant 0 : index
    %get3A_32 = vector.load %arg3[%get3A_29, %get3A_30, %get3A_31] : memref<32x512x32xf32, #tpu.memory_space<vmem>>, vector<1x512x32xf32>
    %get3A_33 = vector.shape_cast %get3A_32 : vector<1x512x32xf32> to vector<512x32xf32>
    %get3A_34 = arith.constant 7 : index
    %get3A_35 = arith.constant 0 : index
    %get3A_36 = arith.constant 0 : index
    %get3A_37 = vector.load %arg3[%get3A_34, %get3A_35, %get3A_36] : memref<32x512x32xf32, #tpu.memory_space<vmem>>, vector<1x512x32xf32>
    %get3A_38 = vector.shape_cast %get3A_37 : vector<1x512x32xf32> to vector<512x32xf32>
    %get3A_39 = arith.constant 8 : index
    %get3A_40 = arith.constant 0 : index
    %get3A_41 = arith.constant 0 : index
    %get3A_42 = vector.load %arg3[%get3A_39, %get3A_40, %get3A_41] : memref<32x512x32xf32, #tpu.memory_space<vmem>>, vector<1x512x32xf32>
    %get3A_43 = vector.shape_cast %get3A_42 : vector<1x512x32xf32> to vector<512x32xf32>
    %get3A_44 = arith.constant 9 : index
    %get3A_45 = arith.constant 0 : index
    %get3A_46 = arith.constant 0 : index
    %get3A_47 = vector.load %arg3[%get3A_44, %get3A_45, %get3A_46] : memref<32x512x32xf32, #tpu.memory_space<vmem>>, vector<1x512x32xf32>
    %get3A_48 = vector.shape_cast %get3A_47 : vector<1x512x32xf32> to vector<512x32xf32>
    %get3A_49 = arith.constant 10 : index
    %get3A_50 = arith.constant 0 : index
    %get3A_51 = arith.constant 0 : index
    %get3A_52 = vector.load %arg3[%get3A_49, %get3A_50, %get3A_51] : memref<32x512x32xf32, #tpu.memory_space<vmem>>, vector<1x512x32xf32>
    %get3A_53 = vector.shape_cast %get3A_52 : vector<1x512x32xf32> to vector<512x32xf32>
    %get3A_54 = arith.constant 11 : index
    %get3A_55 = arith.constant 0 : index
    %get3A_56 = arith.constant 0 : index
    %get3A_57 = vector.load %arg3[%get3A_54, %get3A_55, %get3A_56] : memref<32x512x32xf32, #tpu.memory_space<vmem>>, vector<1x512x32xf32>
    %get3A_58 = vector.shape_cast %get3A_57 : vector<1x512x32xf32> to vector<512x32xf32>
    %get3A_59 = arith.constant 12 : index
    %get3A_60 = arith.constant 0 : index
    %get3A_61 = arith.constant 0 : index
    %get3A_62 = vector.load %arg3[%get3A_59, %get3A_60, %get3A_61] : memref<32x512x32xf32, #tpu.memory_space<vmem>>, vector<1x512x32xf32>
    %get3A_63 = vector.shape_cast %get3A_62 : vector<1x512x32xf32> to vector<512x32xf32>
    %get3A_64 = arith.constant 13 : index
    %get3A_65 = arith.constant 0 : index
    %get3A_66 = arith.constant 0 : index
    %get3A_67 = vector.load %arg3[%get3A_64, %get3A_65, %get3A_66] : memref<32x512x32xf32, #tpu.memory_space<vmem>>, vector<1x512x32xf32>
    %get3A_68 = vector.shape_cast %get3A_67 : vector<1x512x32xf32> to vector<512x32xf32>
    %get3A_69 = arith.constant 14 : index
    %get3A_70 = arith.constant 0 : index
    %get3A_71 = arith.constant 0 : index
    %get3A_72 = vector.load %arg3[%get3A_69, %get3A_70, %get3A_71] : memref<32x512x32xf32, #tpu.memory_space<vmem>>, vector<1x512x32xf32>
    %get3A_73 = vector.shape_cast %get3A_72 : vector<1x512x32xf32> to vector<512x32xf32>
    %get3A_74 = arith.constant 15 : index
    %get3A_75 = arith.constant 0 : index
    %get3A_76 = arith.constant 0 : index
    %get3A_77 = vector.load %arg3[%get3A_74, %get3A_75, %get3A_76] : memref<32x512x32xf32, #tpu.memory_space<vmem>>, vector<1x512x32xf32>
    %get3A_78 = vector.shape_cast %get3A_77 : vector<1x512x32xf32> to vector<512x32xf32>
    %get3A_79 = arith.constant 16 : index
    %get3A_80 = arith.constant 0 : index
    %get3A_81 = arith.constant 0 : index
    %get3A_82 = vector.load %arg3[%get3A_79, %get3A_80, %get3A_81] : memref<32x512x32xf32, #tpu.memory_space<vmem>>, vector<1x512x32xf32>
    %get3A_83 = vector.shape_cast %get3A_82 : vector<1x512x32xf32> to vector<512x32xf32>
    %get3A_84 = arith.constant 17 : index
    %get3A_85 = arith.constant 0 : index
    %get3A_86 = arith.constant 0 : index
    %get3A_87 = vector.load %arg3[%get3A_84, %get3A_85, %get3A_86] : memref<32x512x32xf32, #tpu.memory_space<vmem>>, vector<1x512x32xf32>
    %get3A_88 = vector.shape_cast %get3A_87 : vector<1x512x32xf32> to vector<512x32xf32>
    %get3A_89 = arith.constant 18 : index
    %get3A_90 = arith.constant 0 : index
    %get3A_91 = arith.constant 0 : index
    %get3A_92 = vector.load %arg3[%get3A_89, %get3A_90, %get3A_91] : memref<32x512x32xf32, #tpu.memory_space<vmem>>, vector<1x512x32xf32>
    %get3A_93 = vector.shape_cast %get3A_92 : vector<1x512x32xf32> to vector<512x32xf32>
    %get3A_94 = arith.constant 19 : index
    %get3A_95 = arith.constant 0 : index
    %get3A_96 = arith.constant 0 : index
    %get3A_97 = vector.load %arg3[%get3A_94, %get3A_95, %get3A_96] : memref<32x512x32xf32, #tpu.memory_space<vmem>>, vector<1x512x32xf32>
    %get3A_98 = vector.shape_cast %get3A_97 : vector<1x512x32xf32> to vector<512x32xf32>
    %get3A_99 = arith.constant 20 : index
    %get3A_100 = arith.constant 0 : index
    %get3A_101 = arith.constant 0 : index
    %get3A_102 = vector.load %arg3[%get3A_99, %get3A_100, %get3A_101] : memref<32x512x32xf32, #tpu.memory_space<vmem>>, vector<1x512x32xf32>
    %get3A_103 = vector.shape_cast %get3A_102 : vector<1x512x32xf32> to vector<512x32xf32>
    %get3A_104 = arith.constant 21 : index
    %get3A_105 = arith.constant 0 : index
    %get3A_106 = arith.constant 0 : index
    %get3A_107 = vector.load %arg3[%get3A_104, %get3A_105, %get3A_106] : memref<32x512x32xf32, #tpu.memory_space<vmem>>, vector<1x512x32xf32>
    %get3A_108 = vector.shape_cast %get3A_107 : vector<1x512x32xf32> to vector<512x32xf32>
    %get3A_109 = arith.constant 22 : index
    %get3A_110 = arith.constant 0 : index
    %get3A_111 = arith.constant 0 : index
    %get3A_112 = vector.load %arg3[%get3A_109, %get3A_110, %get3A_111] : memref<32x512x32xf32, #tpu.memory_space<vmem>>, vector<1x512x32xf32>
    %get3A_113 = vector.shape_cast %get3A_112 : vector<1x512x32xf32> to vector<512x32xf32>
    %get3A_114 = arith.constant 23 : index
    %get3A_115 = arith.constant 0 : index
    %get3A_116 = arith.constant 0 : index
    %get3A_117 = vector.load %arg3[%get3A_114, %get3A_115, %get3A_116] : memref<32x512x32xf32, #tpu.memory_space<vmem>>, vector<1x512x32xf32>
    %get3A_118 = vector.shape_cast %get3A_117 : vector<1x512x32xf32> to vector<512x32xf32>
    %get3A_119 = arith.constant 24 : index
    %get3A_120 = arith.constant 0 : index
    %get3A_121 = arith.constant 0 : index
    %get3A_122 = vector.load %arg3[%get3A_119, %get3A_120, %get3A_121] : memref<32x512x32xf32, #tpu.memory_space<vmem>>, vector<1x512x32xf32>
    %get3A_123 = vector.shape_cast %get3A_122 : vector<1x512x32xf32> to vector<512x32xf32>
    %get3A_124 = arith.constant 25 : index
    %get3A_125 = arith.constant 0 : index
    %get3A_126 = arith.constant 0 : index
    %get3A_127 = vector.load %arg3[%get3A_124, %get3A_125, %get3A_126] : memref<32x512x32xf32, #tpu.memory_space<vmem>>, vector<1x512x32xf32>
    %get3A_128 = vector.shape_cast %get3A_127 : vector<1x512x32xf32> to vector<512x32xf32>
    %get3A_129 = arith.constant 26 : index
    %get3A_130 = arith.constant 0 : index
    %get3A_131 = arith.constant 0 : index
    %get3A_132 = vector.load %arg3[%get3A_129, %get3A_130, %get3A_131] : memref<32x512x32xf32, #tpu.memory_space<vmem>>, vector<1x512x32xf32>
    %get3A_133 = vector.shape_cast %get3A_132 : vector<1x512x32xf32> to vector<512x32xf32>
    %get3A_134 = arith.constant 27 : index
    %get3A_135 = arith.constant 0 : index
    %get3A_136 = arith.constant 0 : index
    %get3A_137 = vector.load %arg3[%get3A_134, %get3A_135, %get3A_136] : memref<32x512x32xf32, #tpu.memory_space<vmem>>, vector<1x512x32xf32>
    %get3A_138 = vector.shape_cast %get3A_137 : vector<1x512x32xf32> to vector<512x32xf32>
    %get3A_139 = arith.constant 28 : index
    %get3A_140 = arith.constant 0 : index
    %get3A_141 = arith.constant 0 : index
    %get3A_142 = vector.load %arg3[%get3A_139, %get3A_140, %get3A_141] : memref<32x512x32xf32, #tpu.memory_space<vmem>>, vector<1x512x32xf32>
    %get3A_143 = vector.shape_cast %get3A_142 : vector<1x512x32xf32> to vector<512x32xf32>
    %get3A_144 = arith.constant 29 : index
    %get3A_145 = arith.constant 0 : index
    %get3A_146 = arith.constant 0 : index
    %get3A_147 = vector.load %arg3[%get3A_144, %get3A_145, %get3A_146] : memref<32x512x32xf32, #tpu.memory_space<vmem>>, vector<1x512x32xf32>
    %get3A_148 = vector.shape_cast %get3A_147 : vector<1x512x32xf32> to vector<512x32xf32>
    %get3A_149 = arith.constant 30 : index
    %get3A_150 = arith.constant 0 : index
    %get3A_151 = arith.constant 0 : index
    %get3A_152 = vector.load %arg3[%get3A_149, %get3A_150, %get3A_151] : memref<32x512x32xf32, #tpu.memory_space<vmem>>, vector<1x512x32xf32>
    %get3A_153 = vector.shape_cast %get3A_152 : vector<1x512x32xf32> to vector<512x32xf32>
    %get3A_154 = arith.constant 31 : index
    %get3A_155 = arith.constant 0 : index
    %get3A_156 = arith.constant 0 : index
    %get3A_157 = vector.load %arg3[%get3A_154, %get3A_155, %get3A_156] : memref<32x512x32xf32, #tpu.memory_space<vmem>>, vector<1x512x32xf32>
    %get3A_158 = vector.shape_cast %get3A_157 : vector<1x512x32xf32> to vector<512x32xf32>
    %get3A_159 = arith.constant 0 : index
    %get3A_160 = arith.constant 0 : index
    %get3A_161 = vector.load %arg2[%get3A_159, %get3A_160] : memref<512x1024xf32, #tpu.memory_space<vmem>>, vector<512x32xf32>
    %transpose3A = tpu.transpose %get3A_3, [1, 0] : vector<512x32xf32> -> vector<32x512xf32>
    %dot_general3A = arith.constant dense<0.000000e+00> : vector<512x512xf32>
    %dot_general3A_162 = tpu.matmul %get3A_161, %transpose3A, %dot_general3A {dimension_numbers = #tpu.dot_dimension_numbers<[1], [0], [0], [1], [0, 0, 1, 1], [], []>, transpose_lhs_hint = false} : vector<512x32xf32>, vector<32x512xf32>, vector<512x512xf32> -> vector<512x512xf32>
    %get3A_163 = arith.constant 0 : index
    %get3A_164 = arith.constant 32 : index
    %get3A_165 = vector.load %arg2[%get3A_163, %get3A_164] : memref<512x1024xf32, #tpu.memory_space<vmem>>, vector<512x32xf32>
    %transpose3A_166 = tpu.transpose %get3A_8, [1, 0] : vector<512x32xf32> -> vector<32x512xf32>
    %dot_general3A_167 = arith.constant dense<0.000000e+00> : vector<512x512xf32>
    %dot_general3A_168 = tpu.matmul %get3A_165, %transpose3A_166, %dot_general3A_167 {dimension_numbers = #tpu.dot_dimension_numbers<[1], [0], [0], [1], [0, 0, 1, 1], [], []>, transpose_lhs_hint = false} : vector<512x32xf32>, vector<32x512xf32>, vector<512x512xf32> -> vector<512x512xf32>
    %get3A_169 = arith.constant 0 : index
    %get3A_170 = arith.constant 64 : index
    %get3A_171 = vector.load %arg2[%get3A_169, %get3A_170] : memref<512x1024xf32, #tpu.memory_space<vmem>>, vector<512x32xf32>
    %transpose3A_172 = tpu.transpose %get3A_13, [1, 0] : vector<512x32xf32> -> vector<32x512xf32>
    %dot_general3A_173 = arith.constant dense<0.000000e+00> : vector<512x512xf32>
    %dot_general3A_174 = tpu.matmul %get3A_171, %transpose3A_172, %dot_general3A_173 {dimension_numbers = #tpu.dot_dimension_numbers<[1], [0], [0], [1], [0, 0, 1, 1], [], []>, transpose_lhs_hint = false} : vector<512x32xf32>, vector<32x512xf32>, vector<512x512xf32> -> vector<512x512xf32>
    %get3A_175 = arith.constant 0 : index
    %get3A_176 = arith.constant 96 : index
    %get3A_177 = vector.load %arg2[%get3A_175, %get3A_176] : memref<512x1024xf32, #tpu.memory_space<vmem>>, vector<512x32xf32>
    %transpose3A_178 = tpu.transpose %get3A_18, [1, 0] : vector<512x32xf32> -> vector<32x512xf32>
    %dot_general3A_179 = arith.constant dense<0.000000e+00> : vector<512x512xf32>
    %dot_general3A_180 = tpu.matmul %get3A_177, %transpose3A_178, %dot_general3A_179 {dimension_numbers = #tpu.dot_dimension_numbers<[1], [0], [0], [1], [0, 0, 1, 1], [], []>, transpose_lhs_hint = false} : vector<512x32xf32>, vector<32x512xf32>, vector<512x512xf32> -> vector<512x512xf32>
    %get3A_181 = arith.constant 0 : index
    %get3A_182 = arith.constant 128 : index
    %get3A_183 = vector.load %arg2[%get3A_181, %get3A_182] : memref<512x1024xf32, #tpu.memory_space<vmem>>, vector<512x32xf32>
    %transpose3A_184 = tpu.transpose %get3A_23, [1, 0] : vector<512x32xf32> -> vector<32x512xf32>
    %dot_general3A_185 = arith.constant dense<0.000000e+00> : vector<512x512xf32>
    %dot_general3A_186 = tpu.matmul %get3A_183, %transpose3A_184, %dot_general3A_185 {dimension_numbers = #tpu.dot_dimension_numbers<[1], [0], [0], [1], [0, 0, 1, 1], [], []>, transpose_lhs_hint = false} : vector<512x32xf32>, vector<32x512xf32>, vector<512x512xf32> -> vector<512x512xf32>
    %get3A_187 = arith.constant 0 : index
    %get3A_188 = arith.constant 160 : index
    %get3A_189 = vector.load %arg2[%get3A_187, %get3A_188] : memref<512x1024xf32, #tpu.memory_space<vmem>>, vector<512x32xf32>
    %transpose3A_190 = tpu.transpose %get3A_28, [1, 0] : vector<512x32xf32> -> vector<32x512xf32>
    %dot_general3A_191 = arith.constant dense<0.000000e+00> : vector<512x512xf32>
    %dot_general3A_192 = tpu.matmul %get3A_189, %transpose3A_190, %dot_general3A_191 {dimension_numbers = #tpu.dot_dimension_numbers<[1], [0], [0], [1], [0, 0, 1, 1], [], []>, transpose_lhs_hint = false} : vector<512x32xf32>, vector<32x512xf32>, vector<512x512xf32> -> vector<512x512xf32>
    %get3A_193 = arith.constant 0 : index
    %get3A_194 = arith.constant 192 : index
    %get3A_195 = vector.load %arg2[%get3A_193, %get3A_194] : memref<512x1024xf32, #tpu.memory_space<vmem>>, vector<512x32xf32>
    %transpose3A_196 = tpu.transpose %get3A_33, [1, 0] : vector<512x32xf32> -> vector<32x512xf32>
    %dot_general3A_197 = arith.constant dense<0.000000e+00> : vector<512x512xf32>
    %dot_general3A_198 = tpu.matmul %get3A_195, %transpose3A_196, %dot_general3A_197 {dimension_numbers = #tpu.dot_dimension_numbers<[1], [0], [0], [1], [0, 0, 1, 1], [], []>, transpose_lhs_hint = false} : vector<512x32xf32>, vector<32x512xf32>, vector<512x512xf32> -> vector<512x512xf32>
    %get3A_199 = arith.constant 0 : index
    %get3A_200 = arith.constant 224 : index
    %get3A_201 = vector.load %arg2[%get3A_199, %get3A_200] : memref<512x1024xf32, #tpu.memory_space<vmem>>, vector<512x32xf32>
    %transpose3A_202 = tpu.transpose %get3A_38, [1, 0] : vector<512x32xf32> -> vector<32x512xf32>
    %dot_general3A_203 = arith.constant dense<0.000000e+00> : vector<512x512xf32>
    %dot_general3A_204 = tpu.matmul %get3A_201, %transpose3A_202, %dot_general3A_203 {dimension_numbers = #tpu.dot_dimension_numbers<[1], [0], [0], [1], [0, 0, 1, 1], [], []>, transpose_lhs_hint = false} : vector<512x32xf32>, vector<32x512xf32>, vector<512x512xf32> -> vector<512x512xf32>
    %get3A_205 = arith.constant 0 : index
    %get3A_206 = arith.constant 256 : index
    %get3A_207 = vector.load %arg2[%get3A_205, %get3A_206] : memref<512x1024xf32, #tpu.memory_space<vmem>>, vector<512x32xf32>
    %transpose3A_208 = tpu.transpose %get3A_43, [1, 0] : vector<512x32xf32> -> vector<32x512xf32>
    %dot_general3A_209 = arith.constant dense<0.000000e+00> : vector<512x512xf32>
    %dot_general3A_210 = tpu.matmul %get3A_207, %transpose3A_208, %dot_general3A_209 {dimension_numbers = #tpu.dot_dimension_numbers<[1], [0], [0], [1], [0, 0, 1, 1], [], []>, transpose_lhs_hint = false} : vector<512x32xf32>, vector<32x512xf32>, vector<512x512xf32> -> vector<512x512xf32>
    %get3A_211 = arith.constant 0 : index
    %get3A_212 = arith.constant 288 : index
    %get3A_213 = vector.load %arg2[%get3A_211, %get3A_212] : memref<512x1024xf32, #tpu.memory_space<vmem>>, vector<512x32xf32>
    %transpose3A_214 = tpu.transpose %get3A_48, [1, 0] : vector<512x32xf32> -> vector<32x512xf32>
    %dot_general3A_215 = arith.constant dense<0.000000e+00> : vector<512x512xf32>
    %dot_general3A_216 = tpu.matmul %get3A_213, %transpose3A_214, %dot_general3A_215 {dimension_numbers = #tpu.dot_dimension_numbers<[1], [0], [0], [1], [0, 0, 1, 1], [], []>, transpose_lhs_hint = false} : vector<512x32xf32>, vector<32x512xf32>, vector<512x512xf32> -> vector<512x512xf32>
    %get3A_217 = arith.constant 0 : index
    %get3A_218 = arith.constant 320 : index
    %get3A_219 = vector.load %arg2[%get3A_217, %get3A_218] : memref<512x1024xf32, #tpu.memory_space<vmem>>, vector<512x32xf32>
    %transpose3A_220 = tpu.transpose %get3A_53, [1, 0] : vector<512x32xf32> -> vector<32x512xf32>
    %dot_general3A_221 = arith.constant dense<0.000000e+00> : vector<512x512xf32>
    %dot_general3A_222 = tpu.matmul %get3A_219, %transpose3A_220, %dot_general3A_221 {dimension_numbers = #tpu.dot_dimension_numbers<[1], [0], [0], [1], [0, 0, 1, 1], [], []>, transpose_lhs_hint = false} : vector<512x32xf32>, vector<32x512xf32>, vector<512x512xf32> -> vector<512x512xf32>
    %get3A_223 = arith.constant 0 : index
    %get3A_224 = arith.constant 352 : index
    %get3A_225 = vector.load %arg2[%get3A_223, %get3A_224] : memref<512x1024xf32, #tpu.memory_space<vmem>>, vector<512x32xf32>
    %transpose3A_226 = tpu.transpose %get3A_58, [1, 0] : vector<512x32xf32> -> vector<32x512xf32>
    %dot_general3A_227 = arith.constant dense<0.000000e+00> : vector<512x512xf32>
    %dot_general3A_228 = tpu.matmul %get3A_225, %transpose3A_226, %dot_general3A_227 {dimension_numbers = #tpu.dot_dimension_numbers<[1], [0], [0], [1], [0, 0, 1, 1], [], []>, transpose_lhs_hint = false} : vector<512x32xf32>, vector<32x512xf32>, vector<512x512xf32> -> vector<512x512xf32>
    %get3A_229 = arith.constant 0 : index
    %get3A_230 = arith.constant 384 : index
    %get3A_231 = vector.load %arg2[%get3A_229, %get3A_230] : memref<512x1024xf32, #tpu.memory_space<vmem>>, vector<512x32xf32>
    %transpose3A_232 = tpu.transpose %get3A_63, [1, 0] : vector<512x32xf32> -> vector<32x512xf32>
    %dot_general3A_233 = arith.constant dense<0.000000e+00> : vector<512x512xf32>
    %dot_general3A_234 = tpu.matmul %get3A_231, %transpose3A_232, %dot_general3A_233 {dimension_numbers = #tpu.dot_dimension_numbers<[1], [0], [0], [1], [0, 0, 1, 1], [], []>, transpose_lhs_hint = false} : vector<512x32xf32>, vector<32x512xf32>, vector<512x512xf32> -> vector<512x512xf32>
    %get3A_235 = arith.constant 0 : index
    %get3A_236 = arith.constant 416 : index
    %get3A_237 = vector.load %arg2[%get3A_235, %get3A_236] : memref<512x1024xf32, #tpu.memory_space<vmem>>, vector<512x32xf32>
    %transpose3A_238 = tpu.transpose %get3A_68, [1, 0] : vector<512x32xf32> -> vector<32x512xf32>
    %dot_general3A_239 = arith.constant dense<0.000000e+00> : vector<512x512xf32>
    %dot_general3A_240 = tpu.matmul %get3A_237, %transpose3A_238, %dot_general3A_239 {dimension_numbers = #tpu.dot_dimension_numbers<[1], [0], [0], [1], [0, 0, 1, 1], [], []>, transpose_lhs_hint = false} : vector<512x32xf32>, vector<32x512xf32>, vector<512x512xf32> -> vector<512x512xf32>
    %get3A_241 = arith.constant 0 : index
    %get3A_242 = arith.constant 448 : index
    %get3A_243 = vector.load %arg2[%get3A_241, %get3A_242] : memref<512x1024xf32, #tpu.memory_space<vmem>>, vector<512x32xf32>
    %transpose3A_244 = tpu.transpose %get3A_73, [1, 0] : vector<512x32xf32> -> vector<32x512xf32>
    %dot_general3A_245 = arith.constant dense<0.000000e+00> : vector<512x512xf32>
    %dot_general3A_246 = tpu.matmul %get3A_243, %transpose3A_244, %dot_general3A_245 {dimension_numbers = #tpu.dot_dimension_numbers<[1], [0], [0], [1], [0, 0, 1, 1], [], []>, transpose_lhs_hint = false} : vector<512x32xf32>, vector<32x512xf32>, vector<512x512xf32> -> vector<512x512xf32>
    %get3A_247 = arith.constant 0 : index
    %get3A_248 = arith.constant 480 : index
    %get3A_249 = vector.load %arg2[%get3A_247, %get3A_248] : memref<512x1024xf32, #tpu.memory_space<vmem>>, vector<512x32xf32>
    %transpose3A_250 = tpu.transpose %get3A_78, [1, 0] : vector<512x32xf32> -> vector<32x512xf32>
    %dot_general3A_251 = arith.constant dense<0.000000e+00> : vector<512x512xf32>
    %dot_general3A_252 = tpu.matmul %get3A_249, %transpose3A_250, %dot_general3A_251 {dimension_numbers = #tpu.dot_dimension_numbers<[1], [0], [0], [1], [0, 0, 1, 1], [], []>, transpose_lhs_hint = false} : vector<512x32xf32>, vector<32x512xf32>, vector<512x512xf32> -> vector<512x512xf32>
    %get3A_253 = arith.constant 0 : index
    %get3A_254 = arith.constant 512 : index
    %get3A_255 = vector.load %arg2[%get3A_253, %get3A_254] : memref<512x1024xf32, #tpu.memory_space<vmem>>, vector<512x32xf32>
    %transpose3A_256 = tpu.transpose %get3A_83, [1, 0] : vector<512x32xf32> -> vector<32x512xf32>
    %dot_general3A_257 = arith.constant dense<0.000000e+00> : vector<512x512xf32>
    %dot_general3A_258 = tpu.matmul %get3A_255, %transpose3A_256, %dot_general3A_257 {dimension_numbers = #tpu.dot_dimension_numbers<[1], [0], [0], [1], [0, 0, 1, 1], [], []>, transpose_lhs_hint = false} : vector<512x32xf32>, vector<32x512xf32>, vector<512x512xf32> -> vector<512x512xf32>
    %get3A_259 = arith.constant 0 : index
    %get3A_260 = arith.constant 544 : index
    %get3A_261 = vector.load %arg2[%get3A_259, %get3A_260] : memref<512x1024xf32, #tpu.memory_space<vmem>>, vector<512x32xf32>
    %transpose3A_262 = tpu.transpose %get3A_88, [1, 0] : vector<512x32xf32> -> vector<32x512xf32>
    %dot_general3A_263 = arith.constant dense<0.000000e+00> : vector<512x512xf32>
    %dot_general3A_264 = tpu.matmul %get3A_261, %transpose3A_262, %dot_general3A_263 {dimension_numbers = #tpu.dot_dimension_numbers<[1], [0], [0], [1], [0, 0, 1, 1], [], []>, transpose_lhs_hint = false} : vector<512x32xf32>, vector<32x512xf32>, vector<512x512xf32> -> vector<512x512xf32>
    %get3A_265 = arith.constant 0 : index
    %get3A_266 = arith.constant 576 : index
    %get3A_267 = vector.load %arg2[%get3A_265, %get3A_266] : memref<512x1024xf32, #tpu.memory_space<vmem>>, vector<512x32xf32>
    %transpose3A_268 = tpu.transpose %get3A_93, [1, 0] : vector<512x32xf32> -> vector<32x512xf32>
    %dot_general3A_269 = arith.constant dense<0.000000e+00> : vector<512x512xf32>
    %dot_general3A_270 = tpu.matmul %get3A_267, %transpose3A_268, %dot_general3A_269 {dimension_numbers = #tpu.dot_dimension_numbers<[1], [0], [0], [1], [0, 0, 1, 1], [], []>, transpose_lhs_hint = false} : vector<512x32xf32>, vector<32x512xf32>, vector<512x512xf32> -> vector<512x512xf32>
    %get3A_271 = arith.constant 0 : index
    %get3A_272 = arith.constant 608 : index
    %get3A_273 = vector.load %arg2[%get3A_271, %get3A_272] : memref<512x1024xf32, #tpu.memory_space<vmem>>, vector<512x32xf32>
    %transpose3A_274 = tpu.transpose %get3A_98, [1, 0] : vector<512x32xf32> -> vector<32x512xf32>
    %dot_general3A_275 = arith.constant dense<0.000000e+00> : vector<512x512xf32>
    %dot_general3A_276 = tpu.matmul %get3A_273, %transpose3A_274, %dot_general3A_275 {dimension_numbers = #tpu.dot_dimension_numbers<[1], [0], [0], [1], [0, 0, 1, 1], [], []>, transpose_lhs_hint = false} : vector<512x32xf32>, vector<32x512xf32>, vector<512x512xf32> -> vector<512x512xf32>
    %get3A_277 = arith.constant 0 : index
    %get3A_278 = arith.constant 640 : index
    %get3A_279 = vector.load %arg2[%get3A_277, %get3A_278] : memref<512x1024xf32, #tpu.memory_space<vmem>>, vector<512x32xf32>
    %transpose3A_280 = tpu.transpose %get3A_103, [1, 0] : vector<512x32xf32> -> vector<32x512xf32>
    %dot_general3A_281 = arith.constant dense<0.000000e+00> : vector<512x512xf32>
    %dot_general3A_282 = tpu.matmul %get3A_279, %transpose3A_280, %dot_general3A_281 {dimension_numbers = #tpu.dot_dimension_numbers<[1], [0], [0], [1], [0, 0, 1, 1], [], []>, transpose_lhs_hint = false} : vector<512x32xf32>, vector<32x512xf32>, vector<512x512xf32> -> vector<512x512xf32>
    %get3A_283 = arith.constant 0 : index
    %get3A_284 = arith.constant 672 : index
    %get3A_285 = vector.load %arg2[%get3A_283, %get3A_284] : memref<512x1024xf32, #tpu.memory_space<vmem>>, vector<512x32xf32>
    %transpose3A_286 = tpu.transpose %get3A_108, [1, 0] : vector<512x32xf32> -> vector<32x512xf32>
    %dot_general3A_287 = arith.constant dense<0.000000e+00> : vector<512x512xf32>
    %dot_general3A_288 = tpu.matmul %get3A_285, %transpose3A_286, %dot_general3A_287 {dimension_numbers = #tpu.dot_dimension_numbers<[1], [0], [0], [1], [0, 0, 1, 1], [], []>, transpose_lhs_hint = false} : vector<512x32xf32>, vector<32x512xf32>, vector<512x512xf32> -> vector<512x512xf32>
    %get3A_289 = arith.constant 0 : index
    %get3A_290 = arith.constant 704 : index
    %get3A_291 = vector.load %arg2[%get3A_289, %get3A_290] : memref<512x1024xf32, #tpu.memory_space<vmem>>, vector<512x32xf32>
    %transpose3A_292 = tpu.transpose %get3A_113, [1, 0] : vector<512x32xf32> -> vector<32x512xf32>
    %dot_general3A_293 = arith.constant dense<0.000000e+00> : vector<512x512xf32>
    %dot_general3A_294 = tpu.matmul %get3A_291, %transpose3A_292, %dot_general3A_293 {dimension_numbers = #tpu.dot_dimension_numbers<[1], [0], [0], [1], [0, 0, 1, 1], [], []>, transpose_lhs_hint = false} : vector<512x32xf32>, vector<32x512xf32>, vector<512x512xf32> -> vector<512x512xf32>
    %get3A_295 = arith.constant 0 : index
    %get3A_296 = arith.constant 736 : index
    %get3A_297 = vector.load %arg2[%get3A_295, %get3A_296] : memref<512x1024xf32, #tpu.memory_space<vmem>>, vector<512x32xf32>
    %transpose3A_298 = tpu.transpose %get3A_118, [1, 0] : vector<512x32xf32> -> vector<32x512xf32>
    %dot_general3A_299 = arith.constant dense<0.000000e+00> : vector<512x512xf32>
    %dot_general3A_300 = tpu.matmul %get3A_297, %transpose3A_298, %dot_general3A_299 {dimension_numbers = #tpu.dot_dimension_numbers<[1], [0], [0], [1], [0, 0, 1, 1], [], []>, transpose_lhs_hint = false} : vector<512x32xf32>, vector<32x512xf32>, vector<512x512xf32> -> vector<512x512xf32>
    %get3A_301 = arith.constant 0 : index
    %get3A_302 = arith.constant 768 : index
    %get3A_303 = vector.load %arg2[%get3A_301, %get3A_302] : memref<512x1024xf32, #tpu.memory_space<vmem>>, vector<512x32xf32>
    %transpose3A_304 = tpu.transpose %get3A_123, [1, 0] : vector<512x32xf32> -> vector<32x512xf32>
    %dot_general3A_305 = arith.constant dense<0.000000e+00> : vector<512x512xf32>
    %dot_general3A_306 = tpu.matmul %get3A_303, %transpose3A_304, %dot_general3A_305 {dimension_numbers = #tpu.dot_dimension_numbers<[1], [0], [0], [1], [0, 0, 1, 1], [], []>, transpose_lhs_hint = false} : vector<512x32xf32>, vector<32x512xf32>, vector<512x512xf32> -> vector<512x512xf32>
    %get3A_307 = arith.constant 0 : index
    %get3A_308 = arith.constant 800 : index
    %get3A_309 = vector.load %arg2[%get3A_307, %get3A_308] : memref<512x1024xf32, #tpu.memory_space<vmem>>, vector<512x32xf32>
    %transpose3A_310 = tpu.transpose %get3A_128, [1, 0] : vector<512x32xf32> -> vector<32x512xf32>
    %dot_general3A_311 = arith.constant dense<0.000000e+00> : vector<512x512xf32>
    %dot_general3A_312 = tpu.matmul %get3A_309, %transpose3A_310, %dot_general3A_311 {dimension_numbers = #tpu.dot_dimension_numbers<[1], [0], [0], [1], [0, 0, 1, 1], [], []>, transpose_lhs_hint = false} : vector<512x32xf32>, vector<32x512xf32>, vector<512x512xf32> -> vector<512x512xf32>
    %get3A_313 = arith.constant 0 : index
    %get3A_314 = arith.constant 832 : index
    %get3A_315 = vector.load %arg2[%get3A_313, %get3A_314] : memref<512x1024xf32, #tpu.memory_space<vmem>>, vector<512x32xf32>
    %transpose3A_316 = tpu.transpose %get3A_133, [1, 0] : vector<512x32xf32> -> vector<32x512xf32>
    %dot_general3A_317 = arith.constant dense<0.000000e+00> : vector<512x512xf32>
    %dot_general3A_318 = tpu.matmul %get3A_315, %transpose3A_316, %dot_general3A_317 {dimension_numbers = #tpu.dot_dimension_numbers<[1], [0], [0], [1], [0, 0, 1, 1], [], []>, transpose_lhs_hint = false} : vector<512x32xf32>, vector<32x512xf32>, vector<512x512xf32> -> vector<512x512xf32>
    %get3A_319 = arith.constant 0 : index
    %get3A_320 = arith.constant 864 : index
    %get3A_321 = vector.load %arg2[%get3A_319, %get3A_320] : memref<512x1024xf32, #tpu.memory_space<vmem>>, vector<512x32xf32>
    %transpose3A_322 = tpu.transpose %get3A_138, [1, 0] : vector<512x32xf32> -> vector<32x512xf32>
    %dot_general3A_323 = arith.constant dense<0.000000e+00> : vector<512x512xf32>
    %dot_general3A_324 = tpu.matmul %get3A_321, %transpose3A_322, %dot_general3A_323 {dimension_numbers = #tpu.dot_dimension_numbers<[1], [0], [0], [1], [0, 0, 1, 1], [], []>, transpose_lhs_hint = false} : vector<512x32xf32>, vector<32x512xf32>, vector<512x512xf32> -> vector<512x512xf32>
    %get3A_325 = arith.constant 0 : index
    %get3A_326 = arith.constant 896 : index
    %get3A_327 = vector.load %arg2[%get3A_325, %get3A_326] : memref<512x1024xf32, #tpu.memory_space<vmem>>, vector<512x32xf32>
    %transpose3A_328 = tpu.transpose %get3A_143, [1, 0] : vector<512x32xf32> -> vector<32x512xf32>
    %dot_general3A_329 = arith.constant dense<0.000000e+00> : vector<512x512xf32>
    %dot_general3A_330 = tpu.matmul %get3A_327, %transpose3A_328, %dot_general3A_329 {dimension_numbers = #tpu.dot_dimension_numbers<[1], [0], [0], [1], [0, 0, 1, 1], [], []>, transpose_lhs_hint = false} : vector<512x32xf32>, vector<32x512xf32>, vector<512x512xf32> -> vector<512x512xf32>
    %get3A_331 = arith.constant 0 : index
    %get3A_332 = arith.constant 928 : index
    %get3A_333 = vector.load %arg2[%get3A_331, %get3A_332] : memref<512x1024xf32, #tpu.memory_space<vmem>>, vector<512x32xf32>
    %transpose3A_334 = tpu.transpose %get3A_148, [1, 0] : vector<512x32xf32> -> vector<32x512xf32>
    %dot_general3A_335 = arith.constant dense<0.000000e+00> : vector<512x512xf32>
    %dot_general3A_336 = tpu.matmul %get3A_333, %transpose3A_334, %dot_general3A_335 {dimension_numbers = #tpu.dot_dimension_numbers<[1], [0], [0], [1], [0, 0, 1, 1], [], []>, transpose_lhs_hint = false} : vector<512x32xf32>, vector<32x512xf32>, vector<512x512xf32> -> vector<512x512xf32>
    %get3A_337 = arith.constant 0 : index
    %get3A_338 = arith.constant 960 : index
    %get3A_339 = vector.load %arg2[%get3A_337, %get3A_338] : memref<512x1024xf32, #tpu.memory_space<vmem>>, vector<512x32xf32>
    %transpose3A_340 = tpu.transpose %get3A_153, [1, 0] : vector<512x32xf32> -> vector<32x512xf32>
    %dot_general3A_341 = arith.constant dense<0.000000e+00> : vector<512x512xf32>
    %dot_general3A_342 = tpu.matmul %get3A_339, %transpose3A_340, %dot_general3A_341 {dimension_numbers = #tpu.dot_dimension_numbers<[1], [0], [0], [1], [0, 0, 1, 1], [], []>, transpose_lhs_hint = false} : vector<512x32xf32>, vector<32x512xf32>, vector<512x512xf32> -> vector<512x512xf32>
    %get3A_343 = arith.constant 0 : index
    %get3A_344 = arith.constant 992 : index
    %get3A_345 = vector.load %arg2[%get3A_343, %get3A_344] : memref<512x1024xf32, #tpu.memory_space<vmem>>, vector<512x32xf32>
    %transpose3A_346 = tpu.transpose %get3A_158, [1, 0] : vector<512x32xf32> -> vector<32x512xf32>
    %dot_general3A_347 = arith.constant dense<0.000000e+00> : vector<512x512xf32>
    %dot_general3A_348 = tpu.matmul %get3A_345, %transpose3A_346, %dot_general3A_347 {dimension_numbers = #tpu.dot_dimension_numbers<[1], [0], [0], [1], [0, 0, 1, 1], [], []>, transpose_lhs_hint = false} : vector<512x32xf32>, vector<32x512xf32>, vector<512x512xf32> -> vector<512x512xf32>
    %iota3A = tpu.iota {dimensions = array<i32: 1>} : vector<512x512xi32>
    %sub3A = arith.constant 511 : i32
    %sub3A_349 = vector.broadcast %sub3A : i32 to vector<512x512xi32>
    %sub3A_350 = arith.subi %sub3A_349, %iota3A : vector<512x512xi32>
    %convert_element_type3A = arith.sitofp %sub3A_350 : vector<512x512xi32> to vector<512x512xf32>
    %mul3A = arith.mulf %get3A_3, %get3A_3 : vector<512x32xf32>
    %reduce_sum3A = arith.constant dense<0.000000e+00> : vector<512xf32>
    %reduce_sum3A_351 = vector.multi_reduction <add>, %mul3A, %reduce_sum3A [1] : vector<512x32xf32> to vector<512xf32>
    %mul3A_352 = arith.constant 5.000000e-01 : f32
    %mul3A_353 = vector.broadcast %mul3A_352 : f32 to vector<512xf32>
    %mul3A_354 = arith.mulf %mul3A_353, %reduce_sum3A_351 : vector<512xf32>
    %broadcast_in_dim3A = vector.shape_cast %mul3A_354 : vector<512xf32> to vector<1x512xf32>
    %sub3A_355 = vector.broadcast %broadcast_in_dim3A : vector<1x512xf32> to vector<512x512xf32>
    %sub3A_356 = arith.subf %dot_general3A_162, %sub3A_355 : vector<512x512xf32>
    %reduce_max3A = arith.constant dense<0xFF800000> : vector<512xf32>
    %reduce_max3A_357 = vector.multi_reduction <maximumf>, %sub3A_356, %reduce_max3A [1] : vector<512x512xf32> to vector<512xf32>
    %broadcast_in_dim3A_358 = vector.shape_cast %reduce_max3A_357 : vector<512xf32> to vector<512x1xf32>
    %eq3A = vector.broadcast %broadcast_in_dim3A_358 : vector<512x1xf32> to vector<512x512xf32>
    %eq3A_359 = arith.cmpf oeq, %sub3A_356, %eq3A : vector<512x512xf32>
    %jit3A = arith.constant -1.000000e+00 : f32
    %broadcast_in_dim3A_360 = vector.broadcast %jit3A : f32 to vector<512x512xf32>
    %select_n3A = arith.select %eq3A_359, %convert_element_type3A, %broadcast_in_dim3A_360 : vector<512x512xi1>, vector<512x512xf32>
    %reduce_max3A_361 = arith.constant dense<0xFF800000> : vector<512xf32>
    %reduce_max3A_362 = vector.multi_reduction <maximumf>, %select_n3A, %reduce_max3A_361 [1] : vector<512x512xf32> to vector<512xf32>
    %broadcast_in_dim3A_363 = vector.shape_cast %reduce_max3A_362 : vector<512xf32> to vector<512x1xf32>
    %convert_element_type3A_364 = arith.fptosi %broadcast_in_dim3A_363 : vector<512x1xf32> to vector<512x1xi32>
    %sub3A_365 = arith.constant 511 : i32
    %sub3A_366 = vector.broadcast %sub3A_365 : i32 to vector<512x1xi32>
    %sub3A_367 = arith.subi %sub3A_366, %convert_element_type3A_364 : vector<512x1xi32>
    %mul3A_368 = arith.constant 32 : i32
    %mul3A_369 = arith.muli %arg0, %mul3A_368 : i32
    %add3A = arith.constant 0 : i32
    %add3A_370 = arith.addi %mul3A_369, %add3A : i32
    %mul3A_371 = arith.constant 512 : i32
    %mul3A_372 = arith.muli %add3A_370, %mul3A_371 : i32
    %add3A_373 = vector.broadcast %mul3A_372 : i32 to vector<512x1xi32>
    %add3A_374 = arith.addi %add3A_373, %sub3A_367 : vector<512x1xi32>
    %mul3A_375 = arith.mulf %get3A_8, %get3A_8 : vector<512x32xf32>
    %reduce_sum3A_376 = arith.constant dense<0.000000e+00> : vector<512xf32>
    %reduce_sum3A_377 = vector.multi_reduction <add>, %mul3A_375, %reduce_sum3A_376 [1] : vector<512x32xf32> to vector<512xf32>
    %mul3A_378 = arith.constant 5.000000e-01 : f32
    %mul3A_379 = vector.broadcast %mul3A_378 : f32 to vector<512xf32>
    %mul3A_380 = arith.mulf %mul3A_379, %reduce_sum3A_377 : vector<512xf32>
    %broadcast_in_dim3A_381 = vector.shape_cast %mul3A_380 : vector<512xf32> to vector<1x512xf32>
    %sub3A_382 = vector.broadcast %broadcast_in_dim3A_381 : vector<1x512xf32> to vector<512x512xf32>
    %sub3A_383 = arith.subf %dot_general3A_168, %sub3A_382 : vector<512x512xf32>
    %reduce_max3A_384 = arith.constant dense<0xFF800000> : vector<512xf32>
    %reduce_max3A_385 = vector.multi_reduction <maximumf>, %sub3A_383, %reduce_max3A_384 [1] : vector<512x512xf32> to vector<512xf32>
    %broadcast_in_dim3A_386 = vector.shape_cast %reduce_max3A_385 : vector<512xf32> to vector<512x1xf32>
    %eq3A_387 = vector.broadcast %broadcast_in_dim3A_386 : vector<512x1xf32> to vector<512x512xf32>
    %eq3A_388 = arith.cmpf oeq, %sub3A_383, %eq3A_387 : vector<512x512xf32>
    %jit3A_389 = arith.constant -1.000000e+00 : f32
    %broadcast_in_dim3A_390 = vector.broadcast %jit3A_389 : f32 to vector<512x512xf32>
    %select_n3A_391 = arith.select %eq3A_388, %convert_element_type3A, %broadcast_in_dim3A_390 : vector<512x512xi1>, vector<512x512xf32>
    %reduce_max3A_392 = arith.constant dense<0xFF800000> : vector<512xf32>
    %reduce_max3A_393 = vector.multi_reduction <maximumf>, %select_n3A_391, %reduce_max3A_392 [1] : vector<512x512xf32> to vector<512xf32>
    %broadcast_in_dim3A_394 = vector.shape_cast %reduce_max3A_393 : vector<512xf32> to vector<512x1xf32>
    %convert_element_type3A_395 = arith.fptosi %broadcast_in_dim3A_394 : vector<512x1xf32> to vector<512x1xi32>
    %sub3A_396 = arith.constant 511 : i32
    %sub3A_397 = vector.broadcast %sub3A_396 : i32 to vector<512x1xi32>
    %sub3A_398 = arith.subi %sub3A_397, %convert_element_type3A_395 : vector<512x1xi32>
    %mul3A_399 = arith.constant 32 : i32
    %mul3A_400 = arith.muli %arg0, %mul3A_399 : i32
    %add3A_401 = arith.constant 1 : i32
    %add3A_402 = arith.addi %mul3A_400, %add3A_401 : i32
    %mul3A_403 = arith.constant 512 : i32
    %mul3A_404 = arith.muli %add3A_402, %mul3A_403 : i32
    %add3A_405 = vector.broadcast %mul3A_404 : i32 to vector<512x1xi32>
    %add3A_406 = arith.addi %add3A_405, %sub3A_398 : vector<512x1xi32>
    %mul3A_407 = arith.mulf %get3A_13, %get3A_13 : vector<512x32xf32>
    %reduce_sum3A_408 = arith.constant dense<0.000000e+00> : vector<512xf32>
    %reduce_sum3A_409 = vector.multi_reduction <add>, %mul3A_407, %reduce_sum3A_408 [1] : vector<512x32xf32> to vector<512xf32>
    %mul3A_410 = arith.constant 5.000000e-01 : f32
    %mul3A_411 = vector.broadcast %mul3A_410 : f32 to vector<512xf32>
    %mul3A_412 = arith.mulf %mul3A_411, %reduce_sum3A_409 : vector<512xf32>
    %broadcast_in_dim3A_413 = vector.shape_cast %mul3A_412 : vector<512xf32> to vector<1x512xf32>
    %sub3A_414 = vector.broadcast %broadcast_in_dim3A_413 : vector<1x512xf32> to vector<512x512xf32>
    %sub3A_415 = arith.subf %dot_general3A_174, %sub3A_414 : vector<512x512xf32>
    %reduce_max3A_416 = arith.constant dense<0xFF800000> : vector<512xf32>
    %reduce_max3A_417 = vector.multi_reduction <maximumf>, %sub3A_415, %reduce_max3A_416 [1] : vector<512x512xf32> to vector<512xf32>
    %broadcast_in_dim3A_418 = vector.shape_cast %reduce_max3A_417 : vector<512xf32> to vector<512x1xf32>
    %eq3A_419 = vector.broadcast %broadcast_in_dim3A_418 : vector<512x1xf32> to vector<512x512xf32>
    %eq3A_420 = arith.cmpf oeq, %sub3A_415, %eq3A_419 : vector<512x512xf32>
    %jit3A_421 = arith.constant -1.000000e+00 : f32
    %broadcast_in_dim3A_422 = vector.broadcast %jit3A_421 : f32 to vector<512x512xf32>
    %select_n3A_423 = arith.select %eq3A_420, %convert_element_type3A, %broadcast_in_dim3A_422 : vector<512x512xi1>, vector<512x512xf32>
    %reduce_max3A_424 = arith.constant dense<0xFF800000> : vector<512xf32>
    %reduce_max3A_425 = vector.multi_reduction <maximumf>, %select_n3A_423, %reduce_max3A_424 [1] : vector<512x512xf32> to vector<512xf32>
    %broadcast_in_dim3A_426 = vector.shape_cast %reduce_max3A_425 : vector<512xf32> to vector<512x1xf32>
    %convert_element_type3A_427 = arith.fptosi %broadcast_in_dim3A_426 : vector<512x1xf32> to vector<512x1xi32>
    %sub3A_428 = arith.constant 511 : i32
    %sub3A_429 = vector.broadcast %sub3A_428 : i32 to vector<512x1xi32>
    %sub3A_430 = arith.subi %sub3A_429, %convert_element_type3A_427 : vector<512x1xi32>
    %mul3A_431 = arith.constant 32 : i32
    %mul3A_432 = arith.muli %arg0, %mul3A_431 : i32
    %add3A_433 = arith.constant 2 : i32
    %add3A_434 = arith.addi %mul3A_432, %add3A_433 : i32
    %mul3A_435 = arith.constant 512 : i32
    %mul3A_436 = arith.muli %add3A_434, %mul3A_435 : i32
    %add3A_437 = vector.broadcast %mul3A_436 : i32 to vector<512x1xi32>
    %add3A_438 = arith.addi %add3A_437, %sub3A_430 : vector<512x1xi32>
    %mul3A_439 = arith.mulf %get3A_18, %get3A_18 : vector<512x32xf32>
    %reduce_sum3A_440 = arith.constant dense<0.000000e+00> : vector<512xf32>
    %reduce_sum3A_441 = vector.multi_reduction <add>, %mul3A_439, %reduce_sum3A_440 [1] : vector<512x32xf32> to vector<512xf32>
    %mul3A_442 = arith.constant 5.000000e-01 : f32
    %mul3A_443 = vector.broadcast %mul3A_442 : f32 to vector<512xf32>
    %mul3A_444 = arith.mulf %mul3A_443, %reduce_sum3A_441 : vector<512xf32>
    %broadcast_in_dim3A_445 = vector.shape_cast %mul3A_444 : vector<512xf32> to vector<1x512xf32>
    %sub3A_446 = vector.broadcast %broadcast_in_dim3A_445 : vector<1x512xf32> to vector<512x512xf32>
    %sub3A_447 = arith.subf %dot_general3A_180, %sub3A_446 : vector<512x512xf32>
    %reduce_max3A_448 = arith.constant dense<0xFF800000> : vector<512xf32>
    %reduce_max3A_449 = vector.multi_reduction <maximumf>, %sub3A_447, %reduce_max3A_448 [1] : vector<512x512xf32> to vector<512xf32>
    %broadcast_in_dim3A_450 = vector.shape_cast %reduce_max3A_449 : vector<512xf32> to vector<512x1xf32>
    %eq3A_451 = vector.broadcast %broadcast_in_dim3A_450 : vector<512x1xf32> to vector<512x512xf32>
    %eq3A_452 = arith.cmpf oeq, %sub3A_447, %eq3A_451 : vector<512x512xf32>
    %jit3A_453 = arith.constant -1.000000e+00 : f32
    %broadcast_in_dim3A_454 = vector.broadcast %jit3A_453 : f32 to vector<512x512xf32>
    %select_n3A_455 = arith.select %eq3A_452, %convert_element_type3A, %broadcast_in_dim3A_454 : vector<512x512xi1>, vector<512x512xf32>
    %reduce_max3A_456 = arith.constant dense<0xFF800000> : vector<512xf32>
    %reduce_max3A_457 = vector.multi_reduction <maximumf>, %select_n3A_455, %reduce_max3A_456 [1] : vector<512x512xf32> to vector<512xf32>
    %broadcast_in_dim3A_458 = vector.shape_cast %reduce_max3A_457 : vector<512xf32> to vector<512x1xf32>
    %convert_element_type3A_459 = arith.fptosi %broadcast_in_dim3A_458 : vector<512x1xf32> to vector<512x1xi32>
    %sub3A_460 = arith.constant 511 : i32
    %sub3A_461 = vector.broadcast %sub3A_460 : i32 to vector<512x1xi32>
    %sub3A_462 = arith.subi %sub3A_461, %convert_element_type3A_459 : vector<512x1xi32>
    %mul3A_463 = arith.constant 32 : i32
    %mul3A_464 = arith.muli %arg0, %mul3A_463 : i32
    %add3A_465 = arith.constant 3 : i32
    %add3A_466 = arith.addi %mul3A_464, %add3A_465 : i32
    %mul3A_467 = arith.constant 512 : i32
    %mul3A_468 = arith.muli %add3A_466, %mul3A_467 : i32
    %add3A_469 = vector.broadcast %mul3A_468 : i32 to vector<512x1xi32>
    %add3A_470 = arith.addi %add3A_469, %sub3A_462 : vector<512x1xi32>
    %mul3A_471 = arith.mulf %get3A_23, %get3A_23 : vector<512x32xf32>
    %reduce_sum3A_472 = arith.constant dense<0.000000e+00> : vector<512xf32>
    %reduce_sum3A_473 = vector.multi_reduction <add>, %mul3A_471, %reduce_sum3A_472 [1] : vector<512x32xf32> to vector<512xf32>
    %mul3A_474 = arith.constant 5.000000e-01 : f32
    %mul3A_475 = vector.broadcast %mul3A_474 : f32 to vector<512xf32>
    %mul3A_476 = arith.mulf %mul3A_475, %reduce_sum3A_473 : vector<512xf32>
    %broadcast_in_dim3A_477 = vector.shape_cast %mul3A_476 : vector<512xf32> to vector<1x512xf32>
    %sub3A_478 = vector.broadcast %broadcast_in_dim3A_477 : vector<1x512xf32> to vector<512x512xf32>
    %sub3A_479 = arith.subf %dot_general3A_186, %sub3A_478 : vector<512x512xf32>
    %reduce_max3A_480 = arith.constant dense<0xFF800000> : vector<512xf32>
    %reduce_max3A_481 = vector.multi_reduction <maximumf>, %sub3A_479, %reduce_max3A_480 [1] : vector<512x512xf32> to vector<512xf32>
    %broadcast_in_dim3A_482 = vector.shape_cast %reduce_max3A_481 : vector<512xf32> to vector<512x1xf32>
    %eq3A_483 = vector.broadcast %broadcast_in_dim3A_482 : vector<512x1xf32> to vector<512x512xf32>
    %eq3A_484 = arith.cmpf oeq, %sub3A_479, %eq3A_483 : vector<512x512xf32>
    %jit3A_485 = arith.constant -1.000000e+00 : f32
    %broadcast_in_dim3A_486 = vector.broadcast %jit3A_485 : f32 to vector<512x512xf32>
    %select_n3A_487 = arith.select %eq3A_484, %convert_element_type3A, %broadcast_in_dim3A_486 : vector<512x512xi1>, vector<512x512xf32>
    %reduce_max3A_488 = arith.constant dense<0xFF800000> : vector<512xf32>
    %reduce_max3A_489 = vector.multi_reduction <maximumf>, %select_n3A_487, %reduce_max3A_488 [1] : vector<512x512xf32> to vector<512xf32>
    %broadcast_in_dim3A_490 = vector.shape_cast %reduce_max3A_489 : vector<512xf32> to vector<512x1xf32>
    %convert_element_type3A_491 = arith.fptosi %broadcast_in_dim3A_490 : vector<512x1xf32> to vector<512x1xi32>
    %sub3A_492 = arith.constant 511 : i32
    %sub3A_493 = vector.broadcast %sub3A_492 : i32 to vector<512x1xi32>
    %sub3A_494 = arith.subi %sub3A_493, %convert_element_type3A_491 : vector<512x1xi32>
    %mul3A_495 = arith.constant 32 : i32
    %mul3A_496 = arith.muli %arg0, %mul3A_495 : i32
    %add3A_497 = arith.constant 4 : i32
    %add3A_498 = arith.addi %mul3A_496, %add3A_497 : i32
    %mul3A_499 = arith.constant 512 : i32
    %mul3A_500 = arith.muli %add3A_498, %mul3A_499 : i32
    %add3A_501 = vector.broadcast %mul3A_500 : i32 to vector<512x1xi32>
    %add3A_502 = arith.addi %add3A_501, %sub3A_494 : vector<512x1xi32>
    %mul3A_503 = arith.mulf %get3A_28, %get3A_28 : vector<512x32xf32>
    %reduce_sum3A_504 = arith.constant dense<0.000000e+00> : vector<512xf32>
    %reduce_sum3A_505 = vector.multi_reduction <add>, %mul3A_503, %reduce_sum3A_504 [1] : vector<512x32xf32> to vector<512xf32>
    %mul3A_506 = arith.constant 5.000000e-01 : f32
    %mul3A_507 = vector.broadcast %mul3A_506 : f32 to vector<512xf32>
    %mul3A_508 = arith.mulf %mul3A_507, %reduce_sum3A_505 : vector<512xf32>
    %broadcast_in_dim3A_509 = vector.shape_cast %mul3A_508 : vector<512xf32> to vector<1x512xf32>
    %sub3A_510 = vector.broadcast %broadcast_in_dim3A_509 : vector<1x512xf32> to vector<512x512xf32>
    %sub3A_511 = arith.subf %dot_general3A_192, %sub3A_510 : vector<512x512xf32>
    %reduce_max3A_512 = arith.constant dense<0xFF800000> : vector<512xf32>
    %reduce_max3A_513 = vector.multi_reduction <maximumf>, %sub3A_511, %reduce_max3A_512 [1] : vector<512x512xf32> to vector<512xf32>
    %broadcast_in_dim3A_514 = vector.shape_cast %reduce_max3A_513 : vector<512xf32> to vector<512x1xf32>
    %eq3A_515 = vector.broadcast %broadcast_in_dim3A_514 : vector<512x1xf32> to vector<512x512xf32>
    %eq3A_516 = arith.cmpf oeq, %sub3A_511, %eq3A_515 : vector<512x512xf32>
    %jit3A_517 = arith.constant -1.000000e+00 : f32
    %broadcast_in_dim3A_518 = vector.broadcast %jit3A_517 : f32 to vector<512x512xf32>
    %select_n3A_519 = arith.select %eq3A_516, %convert_element_type3A, %broadcast_in_dim3A_518 : vector<512x512xi1>, vector<512x512xf32>
    %reduce_max3A_520 = arith.constant dense<0xFF800000> : vector<512xf32>
    %reduce_max3A_521 = vector.multi_reduction <maximumf>, %select_n3A_519, %reduce_max3A_520 [1] : vector<512x512xf32> to vector<512xf32>
    %broadcast_in_dim3A_522 = vector.shape_cast %reduce_max3A_521 : vector<512xf32> to vector<512x1xf32>
    %convert_element_type3A_523 = arith.fptosi %broadcast_in_dim3A_522 : vector<512x1xf32> to vector<512x1xi32>
    %sub3A_524 = arith.constant 511 : i32
    %sub3A_525 = vector.broadcast %sub3A_524 : i32 to vector<512x1xi32>
    %sub3A_526 = arith.subi %sub3A_525, %convert_element_type3A_523 : vector<512x1xi32>
    %mul3A_527 = arith.constant 32 : i32
    %mul3A_528 = arith.muli %arg0, %mul3A_527 : i32
    %add3A_529 = arith.constant 5 : i32
    %add3A_530 = arith.addi %mul3A_528, %add3A_529 : i32
    %mul3A_531 = arith.constant 512 : i32
    %mul3A_532 = arith.muli %add3A_530, %mul3A_531 : i32
    %add3A_533 = vector.broadcast %mul3A_532 : i32 to vector<512x1xi32>
    %add3A_534 = arith.addi %add3A_533, %sub3A_526 : vector<512x1xi32>
    %mul3A_535 = arith.mulf %get3A_33, %get3A_33 : vector<512x32xf32>
    %reduce_sum3A_536 = arith.constant dense<0.000000e+00> : vector<512xf32>
    %reduce_sum3A_537 = vector.multi_reduction <add>, %mul3A_535, %reduce_sum3A_536 [1] : vector<512x32xf32> to vector<512xf32>
    %mul3A_538 = arith.constant 5.000000e-01 : f32
    %mul3A_539 = vector.broadcast %mul3A_538 : f32 to vector<512xf32>
    %mul3A_540 = arith.mulf %mul3A_539, %reduce_sum3A_537 : vector<512xf32>
    %broadcast_in_dim3A_541 = vector.shape_cast %mul3A_540 : vector<512xf32> to vector<1x512xf32>
    %sub3A_542 = vector.broadcast %broadcast_in_dim3A_541 : vector<1x512xf32> to vector<512x512xf32>
    %sub3A_543 = arith.subf %dot_general3A_198, %sub3A_542 : vector<512x512xf32>
    %reduce_max3A_544 = arith.constant dense<0xFF800000> : vector<512xf32>
    %reduce_max3A_545 = vector.multi_reduction <maximumf>, %sub3A_543, %reduce_max3A_544 [1] : vector<512x512xf32> to vector<512xf32>
    %broadcast_in_dim3A_546 = vector.shape_cast %reduce_max3A_545 : vector<512xf32> to vector<512x1xf32>
    %eq3A_547 = vector.broadcast %broadcast_in_dim3A_546 : vector<512x1xf32> to vector<512x512xf32>
    %eq3A_548 = arith.cmpf oeq, %sub3A_543, %eq3A_547 : vector<512x512xf32>
    %jit3A_549 = arith.constant -1.000000e+00 : f32
    %broadcast_in_dim3A_550 = vector.broadcast %jit3A_549 : f32 to vector<512x512xf32>
    %select_n3A_551 = arith.select %eq3A_548, %convert_element_type3A, %broadcast_in_dim3A_550 : vector<512x512xi1>, vector<512x512xf32>
    %reduce_max3A_552 = arith.constant dense<0xFF800000> : vector<512xf32>
    %reduce_max3A_553 = vector.multi_reduction <maximumf>, %select_n3A_551, %reduce_max3A_552 [1] : vector<512x512xf32> to vector<512xf32>
    %broadcast_in_dim3A_554 = vector.shape_cast %reduce_max3A_553 : vector<512xf32> to vector<512x1xf32>
    %convert_element_type3A_555 = arith.fptosi %broadcast_in_dim3A_554 : vector<512x1xf32> to vector<512x1xi32>
    %sub3A_556 = arith.constant 511 : i32
    %sub3A_557 = vector.broadcast %sub3A_556 : i32 to vector<512x1xi32>
    %sub3A_558 = arith.subi %sub3A_557, %convert_element_type3A_555 : vector<512x1xi32>
    %mul3A_559 = arith.constant 32 : i32
    %mul3A_560 = arith.muli %arg0, %mul3A_559 : i32
    %add3A_561 = arith.constant 6 : i32
    %add3A_562 = arith.addi %mul3A_560, %add3A_561 : i32
    %mul3A_563 = arith.constant 512 : i32
    %mul3A_564 = arith.muli %add3A_562, %mul3A_563 : i32
    %add3A_565 = vector.broadcast %mul3A_564 : i32 to vector<512x1xi32>
    %add3A_566 = arith.addi %add3A_565, %sub3A_558 : vector<512x1xi32>
    %mul3A_567 = arith.mulf %get3A_38, %get3A_38 : vector<512x32xf32>
    %reduce_sum3A_568 = arith.constant dense<0.000000e+00> : vector<512xf32>
    %reduce_sum3A_569 = vector.multi_reduction <add>, %mul3A_567, %reduce_sum3A_568 [1] : vector<512x32xf32> to vector<512xf32>
    %mul3A_570 = arith.constant 5.000000e-01 : f32
    %mul3A_571 = vector.broadcast %mul3A_570 : f32 to vector<512xf32>
    %mul3A_572 = arith.mulf %mul3A_571, %reduce_sum3A_569 : vector<512xf32>
    %broadcast_in_dim3A_573 = vector.shape_cast %mul3A_572 : vector<512xf32> to vector<1x512xf32>
    %sub3A_574 = vector.broadcast %broadcast_in_dim3A_573 : vector<1x512xf32> to vector<512x512xf32>
    %sub3A_575 = arith.subf %dot_general3A_204, %sub3A_574 : vector<512x512xf32>
    %reduce_max3A_576 = arith.constant dense<0xFF800000> : vector<512xf32>
    %reduce_max3A_577 = vector.multi_reduction <maximumf>, %sub3A_575, %reduce_max3A_576 [1] : vector<512x512xf32> to vector<512xf32>
    %broadcast_in_dim3A_578 = vector.shape_cast %reduce_max3A_577 : vector<512xf32> to vector<512x1xf32>
    %eq3A_579 = vector.broadcast %broadcast_in_dim3A_578 : vector<512x1xf32> to vector<512x512xf32>
    %eq3A_580 = arith.cmpf oeq, %sub3A_575, %eq3A_579 : vector<512x512xf32>
    %jit3A_581 = arith.constant -1.000000e+00 : f32
    %broadcast_in_dim3A_582 = vector.broadcast %jit3A_581 : f32 to vector<512x512xf32>
    %select_n3A_583 = arith.select %eq3A_580, %convert_element_type3A, %broadcast_in_dim3A_582 : vector<512x512xi1>, vector<512x512xf32>
    %reduce_max3A_584 = arith.constant dense<0xFF800000> : vector<512xf32>
    %reduce_max3A_585 = vector.multi_reduction <maximumf>, %select_n3A_583, %reduce_max3A_584 [1] : vector<512x512xf32> to vector<512xf32>
    %broadcast_in_dim3A_586 = vector.shape_cast %reduce_max3A_585 : vector<512xf32> to vector<512x1xf32>
    %convert_element_type3A_587 = arith.fptosi %broadcast_in_dim3A_586 : vector<512x1xf32> to vector<512x1xi32>
    %sub3A_588 = arith.constant 511 : i32
    %sub3A_589 = vector.broadcast %sub3A_588 : i32 to vector<512x1xi32>
    %sub3A_590 = arith.subi %sub3A_589, %convert_element_type3A_587 : vector<512x1xi32>
    %mul3A_591 = arith.constant 32 : i32
    %mul3A_592 = arith.muli %arg0, %mul3A_591 : i32
    %add3A_593 = arith.constant 7 : i32
    %add3A_594 = arith.addi %mul3A_592, %add3A_593 : i32
    %mul3A_595 = arith.constant 512 : i32
    %mul3A_596 = arith.muli %add3A_594, %mul3A_595 : i32
    %add3A_597 = vector.broadcast %mul3A_596 : i32 to vector<512x1xi32>
    %add3A_598 = arith.addi %add3A_597, %sub3A_590 : vector<512x1xi32>
    %mul3A_599 = arith.mulf %get3A_43, %get3A_43 : vector<512x32xf32>
    %reduce_sum3A_600 = arith.constant dense<0.000000e+00> : vector<512xf32>
    %reduce_sum3A_601 = vector.multi_reduction <add>, %mul3A_599, %reduce_sum3A_600 [1] : vector<512x32xf32> to vector<512xf32>
    %mul3A_602 = arith.constant 5.000000e-01 : f32
    %mul3A_603 = vector.broadcast %mul3A_602 : f32 to vector<512xf32>
    %mul3A_604 = arith.mulf %mul3A_603, %reduce_sum3A_601 : vector<512xf32>
    %broadcast_in_dim3A_605 = vector.shape_cast %mul3A_604 : vector<512xf32> to vector<1x512xf32>
    %sub3A_606 = vector.broadcast %broadcast_in_dim3A_605 : vector<1x512xf32> to vector<512x512xf32>
    %sub3A_607 = arith.subf %dot_general3A_210, %sub3A_606 : vector<512x512xf32>
    %reduce_max3A_608 = arith.constant dense<0xFF800000> : vector<512xf32>
    %reduce_max3A_609 = vector.multi_reduction <maximumf>, %sub3A_607, %reduce_max3A_608 [1] : vector<512x512xf32> to vector<512xf32>
    %broadcast_in_dim3A_610 = vector.shape_cast %reduce_max3A_609 : vector<512xf32> to vector<512x1xf32>
    %eq3A_611 = vector.broadcast %broadcast_in_dim3A_610 : vector<512x1xf32> to vector<512x512xf32>
    %eq3A_612 = arith.cmpf oeq, %sub3A_607, %eq3A_611 : vector<512x512xf32>
    %jit3A_613 = arith.constant -1.000000e+00 : f32
    %broadcast_in_dim3A_614 = vector.broadcast %jit3A_613 : f32 to vector<512x512xf32>
    %select_n3A_615 = arith.select %eq3A_612, %convert_element_type3A, %broadcast_in_dim3A_614 : vector<512x512xi1>, vector<512x512xf32>
    %reduce_max3A_616 = arith.constant dense<0xFF800000> : vector<512xf32>
    %reduce_max3A_617 = vector.multi_reduction <maximumf>, %select_n3A_615, %reduce_max3A_616 [1] : vector<512x512xf32> to vector<512xf32>
    %broadcast_in_dim3A_618 = vector.shape_cast %reduce_max3A_617 : vector<512xf32> to vector<512x1xf32>
    %convert_element_type3A_619 = arith.fptosi %broadcast_in_dim3A_618 : vector<512x1xf32> to vector<512x1xi32>
    %sub3A_620 = arith.constant 511 : i32
    %sub3A_621 = vector.broadcast %sub3A_620 : i32 to vector<512x1xi32>
    %sub3A_622 = arith.subi %sub3A_621, %convert_element_type3A_619 : vector<512x1xi32>
    %mul3A_623 = arith.constant 32 : i32
    %mul3A_624 = arith.muli %arg0, %mul3A_623 : i32
    %add3A_625 = arith.constant 8 : i32
    %add3A_626 = arith.addi %mul3A_624, %add3A_625 : i32
    %mul3A_627 = arith.constant 512 : i32
    %mul3A_628 = arith.muli %add3A_626, %mul3A_627 : i32
    %add3A_629 = vector.broadcast %mul3A_628 : i32 to vector<512x1xi32>
    %add3A_630 = arith.addi %add3A_629, %sub3A_622 : vector<512x1xi32>
    %mul3A_631 = arith.mulf %get3A_48, %get3A_48 : vector<512x32xf32>
    %reduce_sum3A_632 = arith.constant dense<0.000000e+00> : vector<512xf32>
    %reduce_sum3A_633 = vector.multi_reduction <add>, %mul3A_631, %reduce_sum3A_632 [1] : vector<512x32xf32> to vector<512xf32>
    %mul3A_634 = arith.constant 5.000000e-01 : f32
    %mul3A_635 = vector.broadcast %mul3A_634 : f32 to vector<512xf32>
    %mul3A_636 = arith.mulf %mul3A_635, %reduce_sum3A_633 : vector<512xf32>
    %broadcast_in_dim3A_637 = vector.shape_cast %mul3A_636 : vector<512xf32> to vector<1x512xf32>
    %sub3A_638 = vector.broadcast %broadcast_in_dim3A_637 : vector<1x512xf32> to vector<512x512xf32>
    %sub3A_639 = arith.subf %dot_general3A_216, %sub3A_638 : vector<512x512xf32>
    %reduce_max3A_640 = arith.constant dense<0xFF800000> : vector<512xf32>
    %reduce_max3A_641 = vector.multi_reduction <maximumf>, %sub3A_639, %reduce_max3A_640 [1] : vector<512x512xf32> to vector<512xf32>
    %broadcast_in_dim3A_642 = vector.shape_cast %reduce_max3A_641 : vector<512xf32> to vector<512x1xf32>
    %eq3A_643 = vector.broadcast %broadcast_in_dim3A_642 : vector<512x1xf32> to vector<512x512xf32>
    %eq3A_644 = arith.cmpf oeq, %sub3A_639, %eq3A_643 : vector<512x512xf32>
    %jit3A_645 = arith.constant -1.000000e+00 : f32
    %broadcast_in_dim3A_646 = vector.broadcast %jit3A_645 : f32 to vector<512x512xf32>
    %select_n3A_647 = arith.select %eq3A_644, %convert_element_type3A, %broadcast_in_dim3A_646 : vector<512x512xi1>, vector<512x512xf32>
    %reduce_max3A_648 = arith.constant dense<0xFF800000> : vector<512xf32>
    %reduce_max3A_649 = vector.multi_reduction <maximumf>, %select_n3A_647, %reduce_max3A_648 [1] : vector<512x512xf32> to vector<512xf32>
    %broadcast_in_dim3A_650 = vector.shape_cast %reduce_max3A_649 : vector<512xf32> to vector<512x1xf32>
    %convert_element_type3A_651 = arith.fptosi %broadcast_in_dim3A_650 : vector<512x1xf32> to vector<512x1xi32>
    %sub3A_652 = arith.constant 511 : i32
    %sub3A_653 = vector.broadcast %sub3A_652 : i32 to vector<512x1xi32>
    %sub3A_654 = arith.subi %sub3A_653, %convert_element_type3A_651 : vector<512x1xi32>
    %mul3A_655 = arith.constant 32 : i32
    %mul3A_656 = arith.muli %arg0, %mul3A_655 : i32
    %add3A_657 = arith.constant 9 : i32
    %add3A_658 = arith.addi %mul3A_656, %add3A_657 : i32
    %mul3A_659 = arith.constant 512 : i32
    %mul3A_660 = arith.muli %add3A_658, %mul3A_659 : i32
    %add3A_661 = vector.broadcast %mul3A_660 : i32 to vector<512x1xi32>
    %add3A_662 = arith.addi %add3A_661, %sub3A_654 : vector<512x1xi32>
    %mul3A_663 = arith.mulf %get3A_53, %get3A_53 : vector<512x32xf32>
    %reduce_sum3A_664 = arith.constant dense<0.000000e+00> : vector<512xf32>
    %reduce_sum3A_665 = vector.multi_reduction <add>, %mul3A_663, %reduce_sum3A_664 [1] : vector<512x32xf32> to vector<512xf32>
    %mul3A_666 = arith.constant 5.000000e-01 : f32
    %mul3A_667 = vector.broadcast %mul3A_666 : f32 to vector<512xf32>
    %mul3A_668 = arith.mulf %mul3A_667, %reduce_sum3A_665 : vector<512xf32>
    %broadcast_in_dim3A_669 = vector.shape_cast %mul3A_668 : vector<512xf32> to vector<1x512xf32>
    %sub3A_670 = vector.broadcast %broadcast_in_dim3A_669 : vector<1x512xf32> to vector<512x512xf32>
    %sub3A_671 = arith.subf %dot_general3A_222, %sub3A_670 : vector<512x512xf32>
    %reduce_max3A_672 = arith.constant dense<0xFF800000> : vector<512xf32>
    %reduce_max3A_673 = vector.multi_reduction <maximumf>, %sub3A_671, %reduce_max3A_672 [1] : vector<512x512xf32> to vector<512xf32>
    %broadcast_in_dim3A_674 = vector.shape_cast %reduce_max3A_673 : vector<512xf32> to vector<512x1xf32>
    %eq3A_675 = vector.broadcast %broadcast_in_dim3A_674 : vector<512x1xf32> to vector<512x512xf32>
    %eq3A_676 = arith.cmpf oeq, %sub3A_671, %eq3A_675 : vector<512x512xf32>
    %jit3A_677 = arith.constant -1.000000e+00 : f32
    %broadcast_in_dim3A_678 = vector.broadcast %jit3A_677 : f32 to vector<512x512xf32>
    %select_n3A_679 = arith.select %eq3A_676, %convert_element_type3A, %broadcast_in_dim3A_678 : vector<512x512xi1>, vector<512x512xf32>
    %reduce_max3A_680 = arith.constant dense<0xFF800000> : vector<512xf32>
    %reduce_max3A_681 = vector.multi_reduction <maximumf>, %select_n3A_679, %reduce_max3A_680 [1] : vector<512x512xf32> to vector<512xf32>
    %broadcast_in_dim3A_682 = vector.shape_cast %reduce_max3A_681 : vector<512xf32> to vector<512x1xf32>
    %convert_element_type3A_683 = arith.fptosi %broadcast_in_dim3A_682 : vector<512x1xf32> to vector<512x1xi32>
    %sub3A_684 = arith.constant 511 : i32
    %sub3A_685 = vector.broadcast %sub3A_684 : i32 to vector<512x1xi32>
    %sub3A_686 = arith.subi %sub3A_685, %convert_element_type3A_683 : vector<512x1xi32>
    %mul3A_687 = arith.constant 32 : i32
    %mul3A_688 = arith.muli %arg0, %mul3A_687 : i32
    %add3A_689 = arith.constant 10 : i32
    %add3A_690 = arith.addi %mul3A_688, %add3A_689 : i32
    %mul3A_691 = arith.constant 512 : i32
    %mul3A_692 = arith.muli %add3A_690, %mul3A_691 : i32
    %add3A_693 = vector.broadcast %mul3A_692 : i32 to vector<512x1xi32>
    %add3A_694 = arith.addi %add3A_693, %sub3A_686 : vector<512x1xi32>
    %mul3A_695 = arith.mulf %get3A_58, %get3A_58 : vector<512x32xf32>
    %reduce_sum3A_696 = arith.constant dense<0.000000e+00> : vector<512xf32>
    %reduce_sum3A_697 = vector.multi_reduction <add>, %mul3A_695, %reduce_sum3A_696 [1] : vector<512x32xf32> to vector<512xf32>
    %mul3A_698 = arith.constant 5.000000e-01 : f32
    %mul3A_699 = vector.broadcast %mul3A_698 : f32 to vector<512xf32>
    %mul3A_700 = arith.mulf %mul3A_699, %reduce_sum3A_697 : vector<512xf32>
    %broadcast_in_dim3A_701 = vector.shape_cast %mul3A_700 : vector<512xf32> to vector<1x512xf32>
    %sub3A_702 = vector.broadcast %broadcast_in_dim3A_701 : vector<1x512xf32> to vector<512x512xf32>
    %sub3A_703 = arith.subf %dot_general3A_228, %sub3A_702 : vector<512x512xf32>
    %reduce_max3A_704 = arith.constant dense<0xFF800000> : vector<512xf32>
    %reduce_max3A_705 = vector.multi_reduction <maximumf>, %sub3A_703, %reduce_max3A_704 [1] : vector<512x512xf32> to vector<512xf32>
    %broadcast_in_dim3A_706 = vector.shape_cast %reduce_max3A_705 : vector<512xf32> to vector<512x1xf32>
    %eq3A_707 = vector.broadcast %broadcast_in_dim3A_706 : vector<512x1xf32> to vector<512x512xf32>
    %eq3A_708 = arith.cmpf oeq, %sub3A_703, %eq3A_707 : vector<512x512xf32>
    %jit3A_709 = arith.constant -1.000000e+00 : f32
    %broadcast_in_dim3A_710 = vector.broadcast %jit3A_709 : f32 to vector<512x512xf32>
    %select_n3A_711 = arith.select %eq3A_708, %convert_element_type3A, %broadcast_in_dim3A_710 : vector<512x512xi1>, vector<512x512xf32>
    %reduce_max3A_712 = arith.constant dense<0xFF800000> : vector<512xf32>
    %reduce_max3A_713 = vector.multi_reduction <maximumf>, %select_n3A_711, %reduce_max3A_712 [1] : vector<512x512xf32> to vector<512xf32>
    %broadcast_in_dim3A_714 = vector.shape_cast %reduce_max3A_713 : vector<512xf32> to vector<512x1xf32>
    %convert_element_type3A_715 = arith.fptosi %broadcast_in_dim3A_714 : vector<512x1xf32> to vector<512x1xi32>
    %sub3A_716 = arith.constant 511 : i32
    %sub3A_717 = vector.broadcast %sub3A_716 : i32 to vector<512x1xi32>
    %sub3A_718 = arith.subi %sub3A_717, %convert_element_type3A_715 : vector<512x1xi32>
    %mul3A_719 = arith.constant 32 : i32
    %mul3A_720 = arith.muli %arg0, %mul3A_719 : i32
    %add3A_721 = arith.constant 11 : i32
    %add3A_722 = arith.addi %mul3A_720, %add3A_721 : i32
    %mul3A_723 = arith.constant 512 : i32
    %mul3A_724 = arith.muli %add3A_722, %mul3A_723 : i32
    %add3A_725 = vector.broadcast %mul3A_724 : i32 to vector<512x1xi32>
    %add3A_726 = arith.addi %add3A_725, %sub3A_718 : vector<512x1xi32>
    %mul3A_727 = arith.mulf %get3A_63, %get3A_63 : vector<512x32xf32>
    %reduce_sum3A_728 = arith.constant dense<0.000000e+00> : vector<512xf32>
    %reduce_sum3A_729 = vector.multi_reduction <add>, %mul3A_727, %reduce_sum3A_728 [1] : vector<512x32xf32> to vector<512xf32>
    %mul3A_730 = arith.constant 5.000000e-01 : f32
    %mul3A_731 = vector.broadcast %mul3A_730 : f32 to vector<512xf32>
    %mul3A_732 = arith.mulf %mul3A_731, %reduce_sum3A_729 : vector<512xf32>
    %broadcast_in_dim3A_733 = vector.shape_cast %mul3A_732 : vector<512xf32> to vector<1x512xf32>
    %sub3A_734 = vector.broadcast %broadcast_in_dim3A_733 : vector<1x512xf32> to vector<512x512xf32>
    %sub3A_735 = arith.subf %dot_general3A_234, %sub3A_734 : vector<512x512xf32>
    %reduce_max3A_736 = arith.constant dense<0xFF800000> : vector<512xf32>
    %reduce_max3A_737 = vector.multi_reduction <maximumf>, %sub3A_735, %reduce_max3A_736 [1] : vector<512x512xf32> to vector<512xf32>
    %broadcast_in_dim3A_738 = vector.shape_cast %reduce_max3A_737 : vector<512xf32> to vector<512x1xf32>
    %eq3A_739 = vector.broadcast %broadcast_in_dim3A_738 : vector<512x1xf32> to vector<512x512xf32>
    %eq3A_740 = arith.cmpf oeq, %sub3A_735, %eq3A_739 : vector<512x512xf32>
    %jit3A_741 = arith.constant -1.000000e+00 : f32
    %broadcast_in_dim3A_742 = vector.broadcast %jit3A_741 : f32 to vector<512x512xf32>
    %select_n3A_743 = arith.select %eq3A_740, %convert_element_type3A, %broadcast_in_dim3A_742 : vector<512x512xi1>, vector<512x512xf32>
    %reduce_max3A_744 = arith.constant dense<0xFF800000> : vector<512xf32>
    %reduce_max3A_745 = vector.multi_reduction <maximumf>, %select_n3A_743, %reduce_max3A_744 [1] : vector<512x512xf32> to vector<512xf32>
    %broadcast_in_dim3A_746 = vector.shape_cast %reduce_max3A_745 : vector<512xf32> to vector<512x1xf32>
    %convert_element_type3A_747 = arith.fptosi %broadcast_in_dim3A_746 : vector<512x1xf32> to vector<512x1xi32>
    %sub3A_748 = arith.constant 511 : i32
    %sub3A_749 = vector.broadcast %sub3A_748 : i32 to vector<512x1xi32>
    %sub3A_750 = arith.subi %sub3A_749, %convert_element_type3A_747 : vector<512x1xi32>
    %mul3A_751 = arith.constant 32 : i32
    %mul3A_752 = arith.muli %arg0, %mul3A_751 : i32
    %add3A_753 = arith.constant 12 : i32
    %add3A_754 = arith.addi %mul3A_752, %add3A_753 : i32
    %mul3A_755 = arith.constant 512 : i32
    %mul3A_756 = arith.muli %add3A_754, %mul3A_755 : i32
    %add3A_757 = vector.broadcast %mul3A_756 : i32 to vector<512x1xi32>
    %add3A_758 = arith.addi %add3A_757, %sub3A_750 : vector<512x1xi32>
    %mul3A_759 = arith.mulf %get3A_68, %get3A_68 : vector<512x32xf32>
    %reduce_sum3A_760 = arith.constant dense<0.000000e+00> : vector<512xf32>
    %reduce_sum3A_761 = vector.multi_reduction <add>, %mul3A_759, %reduce_sum3A_760 [1] : vector<512x32xf32> to vector<512xf32>
    %mul3A_762 = arith.constant 5.000000e-01 : f32
    %mul3A_763 = vector.broadcast %mul3A_762 : f32 to vector<512xf32>
    %mul3A_764 = arith.mulf %mul3A_763, %reduce_sum3A_761 : vector<512xf32>
    %broadcast_in_dim3A_765 = vector.shape_cast %mul3A_764 : vector<512xf32> to vector<1x512xf32>
    %sub3A_766 = vector.broadcast %broadcast_in_dim3A_765 : vector<1x512xf32> to vector<512x512xf32>
    %sub3A_767 = arith.subf %dot_general3A_240, %sub3A_766 : vector<512x512xf32>
    %reduce_max3A_768 = arith.constant dense<0xFF800000> : vector<512xf32>
    %reduce_max3A_769 = vector.multi_reduction <maximumf>, %sub3A_767, %reduce_max3A_768 [1] : vector<512x512xf32> to vector<512xf32>
    %broadcast_in_dim3A_770 = vector.shape_cast %reduce_max3A_769 : vector<512xf32> to vector<512x1xf32>
    %eq3A_771 = vector.broadcast %broadcast_in_dim3A_770 : vector<512x1xf32> to vector<512x512xf32>
    %eq3A_772 = arith.cmpf oeq, %sub3A_767, %eq3A_771 : vector<512x512xf32>
    %jit3A_773 = arith.constant -1.000000e+00 : f32
    %broadcast_in_dim3A_774 = vector.broadcast %jit3A_773 : f32 to vector<512x512xf32>
    %select_n3A_775 = arith.select %eq3A_772, %convert_element_type3A, %broadcast_in_dim3A_774 : vector<512x512xi1>, vector<512x512xf32>
    %reduce_max3A_776 = arith.constant dense<0xFF800000> : vector<512xf32>
    %reduce_max3A_777 = vector.multi_reduction <maximumf>, %select_n3A_775, %reduce_max3A_776 [1] : vector<512x512xf32> to vector<512xf32>
    %broadcast_in_dim3A_778 = vector.shape_cast %reduce_max3A_777 : vector<512xf32> to vector<512x1xf32>
    %convert_element_type3A_779 = arith.fptosi %broadcast_in_dim3A_778 : vector<512x1xf32> to vector<512x1xi32>
    %sub3A_780 = arith.constant 511 : i32
    %sub3A_781 = vector.broadcast %sub3A_780 : i32 to vector<512x1xi32>
    %sub3A_782 = arith.subi %sub3A_781, %convert_element_type3A_779 : vector<512x1xi32>
    %mul3A_783 = arith.constant 32 : i32
    %mul3A_784 = arith.muli %arg0, %mul3A_783 : i32
    %add3A_785 = arith.constant 13 : i32
    %add3A_786 = arith.addi %mul3A_784, %add3A_785 : i32
    %mul3A_787 = arith.constant 512 : i32
    %mul3A_788 = arith.muli %add3A_786, %mul3A_787 : i32
    %add3A_789 = vector.broadcast %mul3A_788 : i32 to vector<512x1xi32>
    %add3A_790 = arith.addi %add3A_789, %sub3A_782 : vector<512x1xi32>
    %mul3A_791 = arith.mulf %get3A_73, %get3A_73 : vector<512x32xf32>
    %reduce_sum3A_792 = arith.constant dense<0.000000e+00> : vector<512xf32>
    %reduce_sum3A_793 = vector.multi_reduction <add>, %mul3A_791, %reduce_sum3A_792 [1] : vector<512x32xf32> to vector<512xf32>
    %mul3A_794 = arith.constant 5.000000e-01 : f32
    %mul3A_795 = vector.broadcast %mul3A_794 : f32 to vector<512xf32>
    %mul3A_796 = arith.mulf %mul3A_795, %reduce_sum3A_793 : vector<512xf32>
    %broadcast_in_dim3A_797 = vector.shape_cast %mul3A_796 : vector<512xf32> to vector<1x512xf32>
    %sub3A_798 = vector.broadcast %broadcast_in_dim3A_797 : vector<1x512xf32> to vector<512x512xf32>
    %sub3A_799 = arith.subf %dot_general3A_246, %sub3A_798 : vector<512x512xf32>
    %reduce_max3A_800 = arith.constant dense<0xFF800000> : vector<512xf32>
    %reduce_max3A_801 = vector.multi_reduction <maximumf>, %sub3A_799, %reduce_max3A_800 [1] : vector<512x512xf32> to vector<512xf32>
    %broadcast_in_dim3A_802 = vector.shape_cast %reduce_max3A_801 : vector<512xf32> to vector<512x1xf32>
    %eq3A_803 = vector.broadcast %broadcast_in_dim3A_802 : vector<512x1xf32> to vector<512x512xf32>
    %eq3A_804 = arith.cmpf oeq, %sub3A_799, %eq3A_803 : vector<512x512xf32>
    %jit3A_805 = arith.constant -1.000000e+00 : f32
    %broadcast_in_dim3A_806 = vector.broadcast %jit3A_805 : f32 to vector<512x512xf32>
    %select_n3A_807 = arith.select %eq3A_804, %convert_element_type3A, %broadcast_in_dim3A_806 : vector<512x512xi1>, vector<512x512xf32>
    %reduce_max3A_808 = arith.constant dense<0xFF800000> : vector<512xf32>
    %reduce_max3A_809 = vector.multi_reduction <maximumf>, %select_n3A_807, %reduce_max3A_808 [1] : vector<512x512xf32> to vector<512xf32>
    %broadcast_in_dim3A_810 = vector.shape_cast %reduce_max3A_809 : vector<512xf32> to vector<512x1xf32>
    %convert_element_type3A_811 = arith.fptosi %broadcast_in_dim3A_810 : vector<512x1xf32> to vector<512x1xi32>
    %sub3A_812 = arith.constant 511 : i32
    %sub3A_813 = vector.broadcast %sub3A_812 : i32 to vector<512x1xi32>
    %sub3A_814 = arith.subi %sub3A_813, %convert_element_type3A_811 : vector<512x1xi32>
    %mul3A_815 = arith.constant 32 : i32
    %mul3A_816 = arith.muli %arg0, %mul3A_815 : i32
    %add3A_817 = arith.constant 14 : i32
    %add3A_818 = arith.addi %mul3A_816, %add3A_817 : i32
    %mul3A_819 = arith.constant 512 : i32
    %mul3A_820 = arith.muli %add3A_818, %mul3A_819 : i32
    %add3A_821 = vector.broadcast %mul3A_820 : i32 to vector<512x1xi32>
    %add3A_822 = arith.addi %add3A_821, %sub3A_814 : vector<512x1xi32>
    %mul3A_823 = arith.mulf %get3A_78, %get3A_78 : vector<512x32xf32>
    %reduce_sum3A_824 = arith.constant dense<0.000000e+00> : vector<512xf32>
    %reduce_sum3A_825 = vector.multi_reduction <add>, %mul3A_823, %reduce_sum3A_824 [1] : vector<512x32xf32> to vector<512xf32>
    %mul3A_826 = arith.constant 5.000000e-01 : f32
    %mul3A_827 = vector.broadcast %mul3A_826 : f32 to vector<512xf32>
    %mul3A_828 = arith.mulf %mul3A_827, %reduce_sum3A_825 : vector<512xf32>
    %broadcast_in_dim3A_829 = vector.shape_cast %mul3A_828 : vector<512xf32> to vector<1x512xf32>
    %sub3A_830 = vector.broadcast %broadcast_in_dim3A_829 : vector<1x512xf32> to vector<512x512xf32>
    %sub3A_831 = arith.subf %dot_general3A_252, %sub3A_830 : vector<512x512xf32>
    %reduce_max3A_832 = arith.constant dense<0xFF800000> : vector<512xf32>
    %reduce_max3A_833 = vector.multi_reduction <maximumf>, %sub3A_831, %reduce_max3A_832 [1] : vector<512x512xf32> to vector<512xf32>
    %broadcast_in_dim3A_834 = vector.shape_cast %reduce_max3A_833 : vector<512xf32> to vector<512x1xf32>
    %eq3A_835 = vector.broadcast %broadcast_in_dim3A_834 : vector<512x1xf32> to vector<512x512xf32>
    %eq3A_836 = arith.cmpf oeq, %sub3A_831, %eq3A_835 : vector<512x512xf32>
    %jit3A_837 = arith.constant -1.000000e+00 : f32
    %broadcast_in_dim3A_838 = vector.broadcast %jit3A_837 : f32 to vector<512x512xf32>
    %select_n3A_839 = arith.select %eq3A_836, %convert_element_type3A, %broadcast_in_dim3A_838 : vector<512x512xi1>, vector<512x512xf32>
    %reduce_max3A_840 = arith.constant dense<0xFF800000> : vector<512xf32>
    %reduce_max3A_841 = vector.multi_reduction <maximumf>, %select_n3A_839, %reduce_max3A_840 [1] : vector<512x512xf32> to vector<512xf32>
    %broadcast_in_dim3A_842 = vector.shape_cast %reduce_max3A_841 : vector<512xf32> to vector<512x1xf32>
    %convert_element_type3A_843 = arith.fptosi %broadcast_in_dim3A_842 : vector<512x1xf32> to vector<512x1xi32>
    %sub3A_844 = arith.constant 511 : i32
    %sub3A_845 = vector.broadcast %sub3A_844 : i32 to vector<512x1xi32>
    %sub3A_846 = arith.subi %sub3A_845, %convert_element_type3A_843 : vector<512x1xi32>
    %mul3A_847 = arith.constant 32 : i32
    %mul3A_848 = arith.muli %arg0, %mul3A_847 : i32
    %add3A_849 = arith.constant 15 : i32
    %add3A_850 = arith.addi %mul3A_848, %add3A_849 : i32
    %mul3A_851 = arith.constant 512 : i32
    %mul3A_852 = arith.muli %add3A_850, %mul3A_851 : i32
    %add3A_853 = vector.broadcast %mul3A_852 : i32 to vector<512x1xi32>
    %add3A_854 = arith.addi %add3A_853, %sub3A_846 : vector<512x1xi32>
    %mul3A_855 = arith.mulf %get3A_83, %get3A_83 : vector<512x32xf32>
    %reduce_sum3A_856 = arith.constant dense<0.000000e+00> : vector<512xf32>
    %reduce_sum3A_857 = vector.multi_reduction <add>, %mul3A_855, %reduce_sum3A_856 [1] : vector<512x32xf32> to vector<512xf32>
    %mul3A_858 = arith.constant 5.000000e-01 : f32
    %mul3A_859 = vector.broadcast %mul3A_858 : f32 to vector<512xf32>
    %mul3A_860 = arith.mulf %mul3A_859, %reduce_sum3A_857 : vector<512xf32>
    %broadcast_in_dim3A_861 = vector.shape_cast %mul3A_860 : vector<512xf32> to vector<1x512xf32>
    %sub3A_862 = vector.broadcast %broadcast_in_dim3A_861 : vector<1x512xf32> to vector<512x512xf32>
    %sub3A_863 = arith.subf %dot_general3A_258, %sub3A_862 : vector<512x512xf32>
    %reduce_max3A_864 = arith.constant dense<0xFF800000> : vector<512xf32>
    %reduce_max3A_865 = vector.multi_reduction <maximumf>, %sub3A_863, %reduce_max3A_864 [1] : vector<512x512xf32> to vector<512xf32>
    %broadcast_in_dim3A_866 = vector.shape_cast %reduce_max3A_865 : vector<512xf32> to vector<512x1xf32>
    %eq3A_867 = vector.broadcast %broadcast_in_dim3A_866 : vector<512x1xf32> to vector<512x512xf32>
    %eq3A_868 = arith.cmpf oeq, %sub3A_863, %eq3A_867 : vector<512x512xf32>
    %jit3A_869 = arith.constant -1.000000e+00 : f32
    %broadcast_in_dim3A_870 = vector.broadcast %jit3A_869 : f32 to vector<512x512xf32>
    %select_n3A_871 = arith.select %eq3A_868, %convert_element_type3A, %broadcast_in_dim3A_870 : vector<512x512xi1>, vector<512x512xf32>
    %reduce_max3A_872 = arith.constant dense<0xFF800000> : vector<512xf32>
    %reduce_max3A_873 = vector.multi_reduction <maximumf>, %select_n3A_871, %reduce_max3A_872 [1] : vector<512x512xf32> to vector<512xf32>
    %broadcast_in_dim3A_874 = vector.shape_cast %reduce_max3A_873 : vector<512xf32> to vector<512x1xf32>
    %convert_element_type3A_875 = arith.fptosi %broadcast_in_dim3A_874 : vector<512x1xf32> to vector<512x1xi32>
    %sub3A_876 = arith.constant 511 : i32
    %sub3A_877 = vector.broadcast %sub3A_876 : i32 to vector<512x1xi32>
    %sub3A_878 = arith.subi %sub3A_877, %convert_element_type3A_875 : vector<512x1xi32>
    %mul3A_879 = arith.constant 32 : i32
    %mul3A_880 = arith.muli %arg0, %mul3A_879 : i32
    %add3A_881 = arith.constant 16 : i32
    %add3A_882 = arith.addi %mul3A_880, %add3A_881 : i32
    %mul3A_883 = arith.constant 512 : i32
    %mul3A_884 = arith.muli %add3A_882, %mul3A_883 : i32
    %add3A_885 = vector.broadcast %mul3A_884 : i32 to vector<512x1xi32>
    %add3A_886 = arith.addi %add3A_885, %sub3A_878 : vector<512x1xi32>
    %mul3A_887 = arith.mulf %get3A_88, %get3A_88 : vector<512x32xf32>
    %reduce_sum3A_888 = arith.constant dense<0.000000e+00> : vector<512xf32>
    %reduce_sum3A_889 = vector.multi_reduction <add>, %mul3A_887, %reduce_sum3A_888 [1] : vector<512x32xf32> to vector<512xf32>
    %mul3A_890 = arith.constant 5.000000e-01 : f32
    %mul3A_891 = vector.broadcast %mul3A_890 : f32 to vector<512xf32>
    %mul3A_892 = arith.mulf %mul3A_891, %reduce_sum3A_889 : vector<512xf32>
    %broadcast_in_dim3A_893 = vector.shape_cast %mul3A_892 : vector<512xf32> to vector<1x512xf32>
    %sub3A_894 = vector.broadcast %broadcast_in_dim3A_893 : vector<1x512xf32> to vector<512x512xf32>
    %sub3A_895 = arith.subf %dot_general3A_264, %sub3A_894 : vector<512x512xf32>
    %reduce_max3A_896 = arith.constant dense<0xFF800000> : vector<512xf32>
    %reduce_max3A_897 = vector.multi_reduction <maximumf>, %sub3A_895, %reduce_max3A_896 [1] : vector<512x512xf32> to vector<512xf32>
    %broadcast_in_dim3A_898 = vector.shape_cast %reduce_max3A_897 : vector<512xf32> to vector<512x1xf32>
    %eq3A_899 = vector.broadcast %broadcast_in_dim3A_898 : vector<512x1xf32> to vector<512x512xf32>
    %eq3A_900 = arith.cmpf oeq, %sub3A_895, %eq3A_899 : vector<512x512xf32>
    %jit3A_901 = arith.constant -1.000000e+00 : f32
    %broadcast_in_dim3A_902 = vector.broadcast %jit3A_901 : f32 to vector<512x512xf32>
    %select_n3A_903 = arith.select %eq3A_900, %convert_element_type3A, %broadcast_in_dim3A_902 : vector<512x512xi1>, vector<512x512xf32>
    %reduce_max3A_904 = arith.constant dense<0xFF800000> : vector<512xf32>
    %reduce_max3A_905 = vector.multi_reduction <maximumf>, %select_n3A_903, %reduce_max3A_904 [1] : vector<512x512xf32> to vector<512xf32>
    %broadcast_in_dim3A_906 = vector.shape_cast %reduce_max3A_905 : vector<512xf32> to vector<512x1xf32>
    %convert_element_type3A_907 = arith.fptosi %broadcast_in_dim3A_906 : vector<512x1xf32> to vector<512x1xi32>
    %sub3A_908 = arith.constant 511 : i32
    %sub3A_909 = vector.broadcast %sub3A_908 : i32 to vector<512x1xi32>
    %sub3A_910 = arith.subi %sub3A_909, %convert_element_type3A_907 : vector<512x1xi32>
    %mul3A_911 = arith.constant 32 : i32
    %mul3A_912 = arith.muli %arg0, %mul3A_911 : i32
    %add3A_913 = arith.constant 17 : i32
    %add3A_914 = arith.addi %mul3A_912, %add3A_913 : i32
    %mul3A_915 = arith.constant 512 : i32
    %mul3A_916 = arith.muli %add3A_914, %mul3A_915 : i32
    %add3A_917 = vector.broadcast %mul3A_916 : i32 to vector<512x1xi32>
    %add3A_918 = arith.addi %add3A_917, %sub3A_910 : vector<512x1xi32>
    %mul3A_919 = arith.mulf %get3A_93, %get3A_93 : vector<512x32xf32>
    %reduce_sum3A_920 = arith.constant dense<0.000000e+00> : vector<512xf32>
    %reduce_sum3A_921 = vector.multi_reduction <add>, %mul3A_919, %reduce_sum3A_920 [1] : vector<512x32xf32> to vector<512xf32>
    %mul3A_922 = arith.constant 5.000000e-01 : f32
    %mul3A_923 = vector.broadcast %mul3A_922 : f32 to vector<512xf32>
    %mul3A_924 = arith.mulf %mul3A_923, %reduce_sum3A_921 : vector<512xf32>
    %broadcast_in_dim3A_925 = vector.shape_cast %mul3A_924 : vector<512xf32> to vector<1x512xf32>
    %sub3A_926 = vector.broadcast %broadcast_in_dim3A_925 : vector<1x512xf32> to vector<512x512xf32>
    %sub3A_927 = arith.subf %dot_general3A_270, %sub3A_926 : vector<512x512xf32>
    %reduce_max3A_928 = arith.constant dense<0xFF800000> : vector<512xf32>
    %reduce_max3A_929 = vector.multi_reduction <maximumf>, %sub3A_927, %reduce_max3A_928 [1] : vector<512x512xf32> to vector<512xf32>
    %broadcast_in_dim3A_930 = vector.shape_cast %reduce_max3A_929 : vector<512xf32> to vector<512x1xf32>
    %eq3A_931 = vector.broadcast %broadcast_in_dim3A_930 : vector<512x1xf32> to vector<512x512xf32>
    %eq3A_932 = arith.cmpf oeq, %sub3A_927, %eq3A_931 : vector<512x512xf32>
    %jit3A_933 = arith.constant -1.000000e+00 : f32
    %broadcast_in_dim3A_934 = vector.broadcast %jit3A_933 : f32 to vector<512x512xf32>
    %select_n3A_935 = arith.select %eq3A_932, %convert_element_type3A, %broadcast_in_dim3A_934 : vector<512x512xi1>, vector<512x512xf32>
    %reduce_max3A_936 = arith.constant dense<0xFF800000> : vector<512xf32>
    %reduce_max3A_937 = vector.multi_reduction <maximumf>, %select_n3A_935, %reduce_max3A_936 [1] : vector<512x512xf32> to vector<512xf32>
    %broadcast_in_dim3A_938 = vector.shape_cast %reduce_max3A_937 : vector<512xf32> to vector<512x1xf32>
    %convert_element_type3A_939 = arith.fptosi %broadcast_in_dim3A_938 : vector<512x1xf32> to vector<512x1xi32>
    %sub3A_940 = arith.constant 511 : i32
    %sub3A_941 = vector.broadcast %sub3A_940 : i32 to vector<512x1xi32>
    %sub3A_942 = arith.subi %sub3A_941, %convert_element_type3A_939 : vector<512x1xi32>
    %mul3A_943 = arith.constant 32 : i32
    %mul3A_944 = arith.muli %arg0, %mul3A_943 : i32
    %add3A_945 = arith.constant 18 : i32
    %add3A_946 = arith.addi %mul3A_944, %add3A_945 : i32
    %mul3A_947 = arith.constant 512 : i32
    %mul3A_948 = arith.muli %add3A_946, %mul3A_947 : i32
    %add3A_949 = vector.broadcast %mul3A_948 : i32 to vector<512x1xi32>
    %add3A_950 = arith.addi %add3A_949, %sub3A_942 : vector<512x1xi32>
    %mul3A_951 = arith.mulf %get3A_98, %get3A_98 : vector<512x32xf32>
    %reduce_sum3A_952 = arith.constant dense<0.000000e+00> : vector<512xf32>
    %reduce_sum3A_953 = vector.multi_reduction <add>, %mul3A_951, %reduce_sum3A_952 [1] : vector<512x32xf32> to vector<512xf32>
    %mul3A_954 = arith.constant 5.000000e-01 : f32
    %mul3A_955 = vector.broadcast %mul3A_954 : f32 to vector<512xf32>
    %mul3A_956 = arith.mulf %mul3A_955, %reduce_sum3A_953 : vector<512xf32>
    %broadcast_in_dim3A_957 = vector.shape_cast %mul3A_956 : vector<512xf32> to vector<1x512xf32>
    %sub3A_958 = vector.broadcast %broadcast_in_dim3A_957 : vector<1x512xf32> to vector<512x512xf32>
    %sub3A_959 = arith.subf %dot_general3A_276, %sub3A_958 : vector<512x512xf32>
    %reduce_max3A_960 = arith.constant dense<0xFF800000> : vector<512xf32>
    %reduce_max3A_961 = vector.multi_reduction <maximumf>, %sub3A_959, %reduce_max3A_960 [1] : vector<512x512xf32> to vector<512xf32>
    %broadcast_in_dim3A_962 = vector.shape_cast %reduce_max3A_961 : vector<512xf32> to vector<512x1xf32>
    %eq3A_963 = vector.broadcast %broadcast_in_dim3A_962 : vector<512x1xf32> to vector<512x512xf32>
    %eq3A_964 = arith.cmpf oeq, %sub3A_959, %eq3A_963 : vector<512x512xf32>
    %jit3A_965 = arith.constant -1.000000e+00 : f32
    %broadcast_in_dim3A_966 = vector.broadcast %jit3A_965 : f32 to vector<512x512xf32>
    %select_n3A_967 = arith.select %eq3A_964, %convert_element_type3A, %broadcast_in_dim3A_966 : vector<512x512xi1>, vector<512x512xf32>
    %reduce_max3A_968 = arith.constant dense<0xFF800000> : vector<512xf32>
    %reduce_max3A_969 = vector.multi_reduction <maximumf>, %select_n3A_967, %reduce_max3A_968 [1] : vector<512x512xf32> to vector<512xf32>
    %broadcast_in_dim3A_970 = vector.shape_cast %reduce_max3A_969 : vector<512xf32> to vector<512x1xf32>
    %convert_element_type3A_971 = arith.fptosi %broadcast_in_dim3A_970 : vector<512x1xf32> to vector<512x1xi32>
    %sub3A_972 = arith.constant 511 : i32
    %sub3A_973 = vector.broadcast %sub3A_972 : i32 to vector<512x1xi32>
    %sub3A_974 = arith.subi %sub3A_973, %convert_element_type3A_971 : vector<512x1xi32>
    %mul3A_975 = arith.constant 32 : i32
    %mul3A_976 = arith.muli %arg0, %mul3A_975 : i32
    %add3A_977 = arith.constant 19 : i32
    %add3A_978 = arith.addi %mul3A_976, %add3A_977 : i32
    %mul3A_979 = arith.constant 512 : i32
    %mul3A_980 = arith.muli %add3A_978, %mul3A_979 : i32
    %add3A_981 = vector.broadcast %mul3A_980 : i32 to vector<512x1xi32>
    %add3A_982 = arith.addi %add3A_981, %sub3A_974 : vector<512x1xi32>
    %mul3A_983 = arith.mulf %get3A_103, %get3A_103 : vector<512x32xf32>
    %reduce_sum3A_984 = arith.constant dense<0.000000e+00> : vector<512xf32>
    %reduce_sum3A_985 = vector.multi_reduction <add>, %mul3A_983, %reduce_sum3A_984 [1] : vector<512x32xf32> to vector<512xf32>
    %mul3A_986 = arith.constant 5.000000e-01 : f32
    %mul3A_987 = vector.broadcast %mul3A_986 : f32 to vector<512xf32>
    %mul3A_988 = arith.mulf %mul3A_987, %reduce_sum3A_985 : vector<512xf32>
    %broadcast_in_dim3A_989 = vector.shape_cast %mul3A_988 : vector<512xf32> to vector<1x512xf32>
    %sub3A_990 = vector.broadcast %broadcast_in_dim3A_989 : vector<1x512xf32> to vector<512x512xf32>
    %sub3A_991 = arith.subf %dot_general3A_282, %sub3A_990 : vector<512x512xf32>
    %reduce_max3A_992 = arith.constant dense<0xFF800000> : vector<512xf32>
    %reduce_max3A_993 = vector.multi_reduction <maximumf>, %sub3A_991, %reduce_max3A_992 [1] : vector<512x512xf32> to vector<512xf32>
    %broadcast_in_dim3A_994 = vector.shape_cast %reduce_max3A_993 : vector<512xf32> to vector<512x1xf32>
    %eq3A_995 = vector.broadcast %broadcast_in_dim3A_994 : vector<512x1xf32> to vector<512x512xf32>
    %eq3A_996 = arith.cmpf oeq, %sub3A_991, %eq3A_995 : vector<512x512xf32>
    %jit3A_997 = arith.constant -1.000000e+00 : f32
    %broadcast_in_dim3A_998 = vector.broadcast %jit3A_997 : f32 to vector<512x512xf32>
    %select_n3A_999 = arith.select %eq3A_996, %convert_element_type3A, %broadcast_in_dim3A_998 : vector<512x512xi1>, vector<512x512xf32>
    %reduce_max3A_1000 = arith.constant dense<0xFF800000> : vector<512xf32>
    %reduce_max3A_1001 = vector.multi_reduction <maximumf>, %select_n3A_999, %reduce_max3A_1000 [1] : vector<512x512xf32> to vector<512xf32>
    %broadcast_in_dim3A_1002 = vector.shape_cast %reduce_max3A_1001 : vector<512xf32> to vector<512x1xf32>
    %convert_element_type3A_1003 = arith.fptosi %broadcast_in_dim3A_1002 : vector<512x1xf32> to vector<512x1xi32>
    %sub3A_1004 = arith.constant 511 : i32
    %sub3A_1005 = vector.broadcast %sub3A_1004 : i32 to vector<512x1xi32>
    %sub3A_1006 = arith.subi %sub3A_1005, %convert_element_type3A_1003 : vector<512x1xi32>
    %mul3A_1007 = arith.constant 32 : i32
    %mul3A_1008 = arith.muli %arg0, %mul3A_1007 : i32
    %add3A_1009 = arith.constant 20 : i32
    %add3A_1010 = arith.addi %mul3A_1008, %add3A_1009 : i32
    %mul3A_1011 = arith.constant 512 : i32
    %mul3A_1012 = arith.muli %add3A_1010, %mul3A_1011 : i32
    %add3A_1013 = vector.broadcast %mul3A_1012 : i32 to vector<512x1xi32>
    %add3A_1014 = arith.addi %add3A_1013, %sub3A_1006 : vector<512x1xi32>
    %mul3A_1015 = arith.mulf %get3A_108, %get3A_108 : vector<512x32xf32>
    %reduce_sum3A_1016 = arith.constant dense<0.000000e+00> : vector<512xf32>
    %reduce_sum3A_1017 = vector.multi_reduction <add>, %mul3A_1015, %reduce_sum3A_1016 [1] : vector<512x32xf32> to vector<512xf32>
    %mul3A_1018 = arith.constant 5.000000e-01 : f32
    %mul3A_1019 = vector.broadcast %mul3A_1018 : f32 to vector<512xf32>
    %mul3A_1020 = arith.mulf %mul3A_1019, %reduce_sum3A_1017 : vector<512xf32>
    %broadcast_in_dim3A_1021 = vector.shape_cast %mul3A_1020 : vector<512xf32> to vector<1x512xf32>
    %sub3A_1022 = vector.broadcast %broadcast_in_dim3A_1021 : vector<1x512xf32> to vector<512x512xf32>
    %sub3A_1023 = arith.subf %dot_general3A_288, %sub3A_1022 : vector<512x512xf32>
    %reduce_max3A_1024 = arith.constant dense<0xFF800000> : vector<512xf32>
    %reduce_max3A_1025 = vector.multi_reduction <maximumf>, %sub3A_1023, %reduce_max3A_1024 [1] : vector<512x512xf32> to vector<512xf32>
    %broadcast_in_dim3A_1026 = vector.shape_cast %reduce_max3A_1025 : vector<512xf32> to vector<512x1xf32>
    %eq3A_1027 = vector.broadcast %broadcast_in_dim3A_1026 : vector<512x1xf32> to vector<512x512xf32>
    %eq3A_1028 = arith.cmpf oeq, %sub3A_1023, %eq3A_1027 : vector<512x512xf32>
    %jit3A_1029 = arith.constant -1.000000e+00 : f32
    %broadcast_in_dim3A_1030 = vector.broadcast %jit3A_1029 : f32 to vector<512x512xf32>
    %select_n3A_1031 = arith.select %eq3A_1028, %convert_element_type3A, %broadcast_in_dim3A_1030 : vector<512x512xi1>, vector<512x512xf32>
    %reduce_max3A_1032 = arith.constant dense<0xFF800000> : vector<512xf32>
    %reduce_max3A_1033 = vector.multi_reduction <maximumf>, %select_n3A_1031, %reduce_max3A_1032 [1] : vector<512x512xf32> to vector<512xf32>
    %broadcast_in_dim3A_1034 = vector.shape_cast %reduce_max3A_1033 : vector<512xf32> to vector<512x1xf32>
    %convert_element_type3A_1035 = arith.fptosi %broadcast_in_dim3A_1034 : vector<512x1xf32> to vector<512x1xi32>
    %sub3A_1036 = arith.constant 511 : i32
    %sub3A_1037 = vector.broadcast %sub3A_1036 : i32 to vector<512x1xi32>
    %sub3A_1038 = arith.subi %sub3A_1037, %convert_element_type3A_1035 : vector<512x1xi32>
    %mul3A_1039 = arith.constant 32 : i32
    %mul3A_1040 = arith.muli %arg0, %mul3A_1039 : i32
    %add3A_1041 = arith.constant 21 : i32
    %add3A_1042 = arith.addi %mul3A_1040, %add3A_1041 : i32
    %mul3A_1043 = arith.constant 512 : i32
    %mul3A_1044 = arith.muli %add3A_1042, %mul3A_1043 : i32
    %add3A_1045 = vector.broadcast %mul3A_1044 : i32 to vector<512x1xi32>
    %add3A_1046 = arith.addi %add3A_1045, %sub3A_1038 : vector<512x1xi32>
    %mul3A_1047 = arith.mulf %get3A_113, %get3A_113 : vector<512x32xf32>
    %reduce_sum3A_1048 = arith.constant dense<0.000000e+00> : vector<512xf32>
    %reduce_sum3A_1049 = vector.multi_reduction <add>, %mul3A_1047, %reduce_sum3A_1048 [1] : vector<512x32xf32> to vector<512xf32>
    %mul3A_1050 = arith.constant 5.000000e-01 : f32
    %mul3A_1051 = vector.broadcast %mul3A_1050 : f32 to vector<512xf32>
    %mul3A_1052 = arith.mulf %mul3A_1051, %reduce_sum3A_1049 : vector<512xf32>
    %broadcast_in_dim3A_1053 = vector.shape_cast %mul3A_1052 : vector<512xf32> to vector<1x512xf32>
    %sub3A_1054 = vector.broadcast %broadcast_in_dim3A_1053 : vector<1x512xf32> to vector<512x512xf32>
    %sub3A_1055 = arith.subf %dot_general3A_294, %sub3A_1054 : vector<512x512xf32>
    %reduce_max3A_1056 = arith.constant dense<0xFF800000> : vector<512xf32>
    %reduce_max3A_1057 = vector.multi_reduction <maximumf>, %sub3A_1055, %reduce_max3A_1056 [1] : vector<512x512xf32> to vector<512xf32>
    %broadcast_in_dim3A_1058 = vector.shape_cast %reduce_max3A_1057 : vector<512xf32> to vector<512x1xf32>
    %eq3A_1059 = vector.broadcast %broadcast_in_dim3A_1058 : vector<512x1xf32> to vector<512x512xf32>
    %eq3A_1060 = arith.cmpf oeq, %sub3A_1055, %eq3A_1059 : vector<512x512xf32>
    %jit3A_1061 = arith.constant -1.000000e+00 : f32
    %broadcast_in_dim3A_1062 = vector.broadcast %jit3A_1061 : f32 to vector<512x512xf32>
    %select_n3A_1063 = arith.select %eq3A_1060, %convert_element_type3A, %broadcast_in_dim3A_1062 : vector<512x512xi1>, vector<512x512xf32>
    %reduce_max3A_1064 = arith.constant dense<0xFF800000> : vector<512xf32>
    %reduce_max3A_1065 = vector.multi_reduction <maximumf>, %select_n3A_1063, %reduce_max3A_1064 [1] : vector<512x512xf32> to vector<512xf32>
    %broadcast_in_dim3A_1066 = vector.shape_cast %reduce_max3A_1065 : vector<512xf32> to vector<512x1xf32>
    %convert_element_type3A_1067 = arith.fptosi %broadcast_in_dim3A_1066 : vector<512x1xf32> to vector<512x1xi32>
    %sub3A_1068 = arith.constant 511 : i32
    %sub3A_1069 = vector.broadcast %sub3A_1068 : i32 to vector<512x1xi32>
    %sub3A_1070 = arith.subi %sub3A_1069, %convert_element_type3A_1067 : vector<512x1xi32>
    %mul3A_1071 = arith.constant 32 : i32
    %mul3A_1072 = arith.muli %arg0, %mul3A_1071 : i32
    %add3A_1073 = arith.constant 22 : i32
    %add3A_1074 = arith.addi %mul3A_1072, %add3A_1073 : i32
    %mul3A_1075 = arith.constant 512 : i32
    %mul3A_1076 = arith.muli %add3A_1074, %mul3A_1075 : i32
    %add3A_1077 = vector.broadcast %mul3A_1076 : i32 to vector<512x1xi32>
    %add3A_1078 = arith.addi %add3A_1077, %sub3A_1070 : vector<512x1xi32>
    %mul3A_1079 = arith.mulf %get3A_118, %get3A_118 : vector<512x32xf32>
    %reduce_sum3A_1080 = arith.constant dense<0.000000e+00> : vector<512xf32>
    %reduce_sum3A_1081 = vector.multi_reduction <add>, %mul3A_1079, %reduce_sum3A_1080 [1] : vector<512x32xf32> to vector<512xf32>
    %mul3A_1082 = arith.constant 5.000000e-01 : f32
    %mul3A_1083 = vector.broadcast %mul3A_1082 : f32 to vector<512xf32>
    %mul3A_1084 = arith.mulf %mul3A_1083, %reduce_sum3A_1081 : vector<512xf32>
    %broadcast_in_dim3A_1085 = vector.shape_cast %mul3A_1084 : vector<512xf32> to vector<1x512xf32>
    %sub3A_1086 = vector.broadcast %broadcast_in_dim3A_1085 : vector<1x512xf32> to vector<512x512xf32>
    %sub3A_1087 = arith.subf %dot_general3A_300, %sub3A_1086 : vector<512x512xf32>
    %reduce_max3A_1088 = arith.constant dense<0xFF800000> : vector<512xf32>
    %reduce_max3A_1089 = vector.multi_reduction <maximumf>, %sub3A_1087, %reduce_max3A_1088 [1] : vector<512x512xf32> to vector<512xf32>
    %broadcast_in_dim3A_1090 = vector.shape_cast %reduce_max3A_1089 : vector<512xf32> to vector<512x1xf32>
    %eq3A_1091 = vector.broadcast %broadcast_in_dim3A_1090 : vector<512x1xf32> to vector<512x512xf32>
    %eq3A_1092 = arith.cmpf oeq, %sub3A_1087, %eq3A_1091 : vector<512x512xf32>
    %jit3A_1093 = arith.constant -1.000000e+00 : f32
    %broadcast_in_dim3A_1094 = vector.broadcast %jit3A_1093 : f32 to vector<512x512xf32>
    %select_n3A_1095 = arith.select %eq3A_1092, %convert_element_type3A, %broadcast_in_dim3A_1094 : vector<512x512xi1>, vector<512x512xf32>
    %reduce_max3A_1096 = arith.constant dense<0xFF800000> : vector<512xf32>
    %reduce_max3A_1097 = vector.multi_reduction <maximumf>, %select_n3A_1095, %reduce_max3A_1096 [1] : vector<512x512xf32> to vector<512xf32>
    %broadcast_in_dim3A_1098 = vector.shape_cast %reduce_max3A_1097 : vector<512xf32> to vector<512x1xf32>
    %convert_element_type3A_1099 = arith.fptosi %broadcast_in_dim3A_1098 : vector<512x1xf32> to vector<512x1xi32>
    %sub3A_1100 = arith.constant 511 : i32
    %sub3A_1101 = vector.broadcast %sub3A_1100 : i32 to vector<512x1xi32>
    %sub3A_1102 = arith.subi %sub3A_1101, %convert_element_type3A_1099 : vector<512x1xi32>
    %mul3A_1103 = arith.constant 32 : i32
    %mul3A_1104 = arith.muli %arg0, %mul3A_1103 : i32
    %add3A_1105 = arith.constant 23 : i32
    %add3A_1106 = arith.addi %mul3A_1104, %add3A_1105 : i32
    %mul3A_1107 = arith.constant 512 : i32
    %mul3A_1108 = arith.muli %add3A_1106, %mul3A_1107 : i32
    %add3A_1109 = vector.broadcast %mul3A_1108 : i32 to vector<512x1xi32>
    %add3A_1110 = arith.addi %add3A_1109, %sub3A_1102 : vector<512x1xi32>
    %mul3A_1111 = arith.mulf %get3A_123, %get3A_123 : vector<512x32xf32>
    %reduce_sum3A_1112 = arith.constant dense<0.000000e+00> : vector<512xf32>
    %reduce_sum3A_1113 = vector.multi_reduction <add>, %mul3A_1111, %reduce_sum3A_1112 [1] : vector<512x32xf32> to vector<512xf32>
    %mul3A_1114 = arith.constant 5.000000e-01 : f32
    %mul3A_1115 = vector.broadcast %mul3A_1114 : f32 to vector<512xf32>
    %mul3A_1116 = arith.mulf %mul3A_1115, %reduce_sum3A_1113 : vector<512xf32>
    %broadcast_in_dim3A_1117 = vector.shape_cast %mul3A_1116 : vector<512xf32> to vector<1x512xf32>
    %sub3A_1118 = vector.broadcast %broadcast_in_dim3A_1117 : vector<1x512xf32> to vector<512x512xf32>
    %sub3A_1119 = arith.subf %dot_general3A_306, %sub3A_1118 : vector<512x512xf32>
    %reduce_max3A_1120 = arith.constant dense<0xFF800000> : vector<512xf32>
    %reduce_max3A_1121 = vector.multi_reduction <maximumf>, %sub3A_1119, %reduce_max3A_1120 [1] : vector<512x512xf32> to vector<512xf32>
    %broadcast_in_dim3A_1122 = vector.shape_cast %reduce_max3A_1121 : vector<512xf32> to vector<512x1xf32>
    %eq3A_1123 = vector.broadcast %broadcast_in_dim3A_1122 : vector<512x1xf32> to vector<512x512xf32>
    %eq3A_1124 = arith.cmpf oeq, %sub3A_1119, %eq3A_1123 : vector<512x512xf32>
    %jit3A_1125 = arith.constant -1.000000e+00 : f32
    %broadcast_in_dim3A_1126 = vector.broadcast %jit3A_1125 : f32 to vector<512x512xf32>
    %select_n3A_1127 = arith.select %eq3A_1124, %convert_element_type3A, %broadcast_in_dim3A_1126 : vector<512x512xi1>, vector<512x512xf32>
    %reduce_max3A_1128 = arith.constant dense<0xFF800000> : vector<512xf32>
    %reduce_max3A_1129 = vector.multi_reduction <maximumf>, %select_n3A_1127, %reduce_max3A_1128 [1] : vector<512x512xf32> to vector<512xf32>
    %broadcast_in_dim3A_1130 = vector.shape_cast %reduce_max3A_1129 : vector<512xf32> to vector<512x1xf32>
    %convert_element_type3A_1131 = arith.fptosi %broadcast_in_dim3A_1130 : vector<512x1xf32> to vector<512x1xi32>
    %sub3A_1132 = arith.constant 511 : i32
    %sub3A_1133 = vector.broadcast %sub3A_1132 : i32 to vector<512x1xi32>
    %sub3A_1134 = arith.subi %sub3A_1133, %convert_element_type3A_1131 : vector<512x1xi32>
    %mul3A_1135 = arith.constant 32 : i32
    %mul3A_1136 = arith.muli %arg0, %mul3A_1135 : i32
    %add3A_1137 = arith.constant 24 : i32
    %add3A_1138 = arith.addi %mul3A_1136, %add3A_1137 : i32
    %mul3A_1139 = arith.constant 512 : i32
    %mul3A_1140 = arith.muli %add3A_1138, %mul3A_1139 : i32
    %add3A_1141 = vector.broadcast %mul3A_1140 : i32 to vector<512x1xi32>
    %add3A_1142 = arith.addi %add3A_1141, %sub3A_1134 : vector<512x1xi32>
    %mul3A_1143 = arith.mulf %get3A_128, %get3A_128 : vector<512x32xf32>
    %reduce_sum3A_1144 = arith.constant dense<0.000000e+00> : vector<512xf32>
    %reduce_sum3A_1145 = vector.multi_reduction <add>, %mul3A_1143, %reduce_sum3A_1144 [1] : vector<512x32xf32> to vector<512xf32>
    %mul3A_1146 = arith.constant 5.000000e-01 : f32
    %mul3A_1147 = vector.broadcast %mul3A_1146 : f32 to vector<512xf32>
    %mul3A_1148 = arith.mulf %mul3A_1147, %reduce_sum3A_1145 : vector<512xf32>
    %broadcast_in_dim3A_1149 = vector.shape_cast %mul3A_1148 : vector<512xf32> to vector<1x512xf32>
    %sub3A_1150 = vector.broadcast %broadcast_in_dim3A_1149 : vector<1x512xf32> to vector<512x512xf32>
    %sub3A_1151 = arith.subf %dot_general3A_312, %sub3A_1150 : vector<512x512xf32>
    %reduce_max3A_1152 = arith.constant dense<0xFF800000> : vector<512xf32>
    %reduce_max3A_1153 = vector.multi_reduction <maximumf>, %sub3A_1151, %reduce_max3A_1152 [1] : vector<512x512xf32> to vector<512xf32>
    %broadcast_in_dim3A_1154 = vector.shape_cast %reduce_max3A_1153 : vector<512xf32> to vector<512x1xf32>
    %eq3A_1155 = vector.broadcast %broadcast_in_dim3A_1154 : vector<512x1xf32> to vector<512x512xf32>
    %eq3A_1156 = arith.cmpf oeq, %sub3A_1151, %eq3A_1155 : vector<512x512xf32>
    %jit3A_1157 = arith.constant -1.000000e+00 : f32
    %broadcast_in_dim3A_1158 = vector.broadcast %jit3A_1157 : f32 to vector<512x512xf32>
    %select_n3A_1159 = arith.select %eq3A_1156, %convert_element_type3A, %broadcast_in_dim3A_1158 : vector<512x512xi1>, vector<512x512xf32>
    %reduce_max3A_1160 = arith.constant dense<0xFF800000> : vector<512xf32>
    %reduce_max3A_1161 = vector.multi_reduction <maximumf>, %select_n3A_1159, %reduce_max3A_1160 [1] : vector<512x512xf32> to vector<512xf32>
    %broadcast_in_dim3A_1162 = vector.shape_cast %reduce_max3A_1161 : vector<512xf32> to vector<512x1xf32>
    %convert_element_type3A_1163 = arith.fptosi %broadcast_in_dim3A_1162 : vector<512x1xf32> to vector<512x1xi32>
    %sub3A_1164 = arith.constant 511 : i32
    %sub3A_1165 = vector.broadcast %sub3A_1164 : i32 to vector<512x1xi32>
    %sub3A_1166 = arith.subi %sub3A_1165, %convert_element_type3A_1163 : vector<512x1xi32>
    %mul3A_1167 = arith.constant 32 : i32
    %mul3A_1168 = arith.muli %arg0, %mul3A_1167 : i32
    %add3A_1169 = arith.constant 25 : i32
    %add3A_1170 = arith.addi %mul3A_1168, %add3A_1169 : i32
    %mul3A_1171 = arith.constant 512 : i32
    %mul3A_1172 = arith.muli %add3A_1170, %mul3A_1171 : i32
    %add3A_1173 = vector.broadcast %mul3A_1172 : i32 to vector<512x1xi32>
    %add3A_1174 = arith.addi %add3A_1173, %sub3A_1166 : vector<512x1xi32>
    %mul3A_1175 = arith.mulf %get3A_133, %get3A_133 : vector<512x32xf32>
    %reduce_sum3A_1176 = arith.constant dense<0.000000e+00> : vector<512xf32>
    %reduce_sum3A_1177 = vector.multi_reduction <add>, %mul3A_1175, %reduce_sum3A_1176 [1] : vector<512x32xf32> to vector<512xf32>
    %mul3A_1178 = arith.constant 5.000000e-01 : f32
    %mul3A_1179 = vector.broadcast %mul3A_1178 : f32 to vector<512xf32>
    %mul3A_1180 = arith.mulf %mul3A_1179, %reduce_sum3A_1177 : vector<512xf32>
    %broadcast_in_dim3A_1181 = vector.shape_cast %mul3A_1180 : vector<512xf32> to vector<1x512xf32>
    %sub3A_1182 = vector.broadcast %broadcast_in_dim3A_1181 : vector<1x512xf32> to vector<512x512xf32>
    %sub3A_1183 = arith.subf %dot_general3A_318, %sub3A_1182 : vector<512x512xf32>
    %reduce_max3A_1184 = arith.constant dense<0xFF800000> : vector<512xf32>
    %reduce_max3A_1185 = vector.multi_reduction <maximumf>, %sub3A_1183, %reduce_max3A_1184 [1] : vector<512x512xf32> to vector<512xf32>
    %broadcast_in_dim3A_1186 = vector.shape_cast %reduce_max3A_1185 : vector<512xf32> to vector<512x1xf32>
    %eq3A_1187 = vector.broadcast %broadcast_in_dim3A_1186 : vector<512x1xf32> to vector<512x512xf32>
    %eq3A_1188 = arith.cmpf oeq, %sub3A_1183, %eq3A_1187 : vector<512x512xf32>
    %jit3A_1189 = arith.constant -1.000000e+00 : f32
    %broadcast_in_dim3A_1190 = vector.broadcast %jit3A_1189 : f32 to vector<512x512xf32>
    %select_n3A_1191 = arith.select %eq3A_1188, %convert_element_type3A, %broadcast_in_dim3A_1190 : vector<512x512xi1>, vector<512x512xf32>
    %reduce_max3A_1192 = arith.constant dense<0xFF800000> : vector<512xf32>
    %reduce_max3A_1193 = vector.multi_reduction <maximumf>, %select_n3A_1191, %reduce_max3A_1192 [1] : vector<512x512xf32> to vector<512xf32>
    %broadcast_in_dim3A_1194 = vector.shape_cast %reduce_max3A_1193 : vector<512xf32> to vector<512x1xf32>
    %convert_element_type3A_1195 = arith.fptosi %broadcast_in_dim3A_1194 : vector<512x1xf32> to vector<512x1xi32>
    %sub3A_1196 = arith.constant 511 : i32
    %sub3A_1197 = vector.broadcast %sub3A_1196 : i32 to vector<512x1xi32>
    %sub3A_1198 = arith.subi %sub3A_1197, %convert_element_type3A_1195 : vector<512x1xi32>
    %mul3A_1199 = arith.constant 32 : i32
    %mul3A_1200 = arith.muli %arg0, %mul3A_1199 : i32
    %add3A_1201 = arith.constant 26 : i32
    %add3A_1202 = arith.addi %mul3A_1200, %add3A_1201 : i32
    %mul3A_1203 = arith.constant 512 : i32
    %mul3A_1204 = arith.muli %add3A_1202, %mul3A_1203 : i32
    %add3A_1205 = vector.broadcast %mul3A_1204 : i32 to vector<512x1xi32>
    %add3A_1206 = arith.addi %add3A_1205, %sub3A_1198 : vector<512x1xi32>
    %mul3A_1207 = arith.mulf %get3A_138, %get3A_138 : vector<512x32xf32>
    %reduce_sum3A_1208 = arith.constant dense<0.000000e+00> : vector<512xf32>
    %reduce_sum3A_1209 = vector.multi_reduction <add>, %mul3A_1207, %reduce_sum3A_1208 [1] : vector<512x32xf32> to vector<512xf32>
    %mul3A_1210 = arith.constant 5.000000e-01 : f32
    %mul3A_1211 = vector.broadcast %mul3A_1210 : f32 to vector<512xf32>
    %mul3A_1212 = arith.mulf %mul3A_1211, %reduce_sum3A_1209 : vector<512xf32>
    %broadcast_in_dim3A_1213 = vector.shape_cast %mul3A_1212 : vector<512xf32> to vector<1x512xf32>
    %sub3A_1214 = vector.broadcast %broadcast_in_dim3A_1213 : vector<1x512xf32> to vector<512x512xf32>
    %sub3A_1215 = arith.subf %dot_general3A_324, %sub3A_1214 : vector<512x512xf32>
    %reduce_max3A_1216 = arith.constant dense<0xFF800000> : vector<512xf32>
    %reduce_max3A_1217 = vector.multi_reduction <maximumf>, %sub3A_1215, %reduce_max3A_1216 [1] : vector<512x512xf32> to vector<512xf32>
    %broadcast_in_dim3A_1218 = vector.shape_cast %reduce_max3A_1217 : vector<512xf32> to vector<512x1xf32>
    %eq3A_1219 = vector.broadcast %broadcast_in_dim3A_1218 : vector<512x1xf32> to vector<512x512xf32>
    %eq3A_1220 = arith.cmpf oeq, %sub3A_1215, %eq3A_1219 : vector<512x512xf32>
    %jit3A_1221 = arith.constant -1.000000e+00 : f32
    %broadcast_in_dim3A_1222 = vector.broadcast %jit3A_1221 : f32 to vector<512x512xf32>
    %select_n3A_1223 = arith.select %eq3A_1220, %convert_element_type3A, %broadcast_in_dim3A_1222 : vector<512x512xi1>, vector<512x512xf32>
    %reduce_max3A_1224 = arith.constant dense<0xFF800000> : vector<512xf32>
    %reduce_max3A_1225 = vector.multi_reduction <maximumf>, %select_n3A_1223, %reduce_max3A_1224 [1] : vector<512x512xf32> to vector<512xf32>
    %broadcast_in_dim3A_1226 = vector.shape_cast %reduce_max3A_1225 : vector<512xf32> to vector<512x1xf32>
    %convert_element_type3A_1227 = arith.fptosi %broadcast_in_dim3A_1226 : vector<512x1xf32> to vector<512x1xi32>
    %sub3A_1228 = arith.constant 511 : i32
    %sub3A_1229 = vector.broadcast %sub3A_1228 : i32 to vector<512x1xi32>
    %sub3A_1230 = arith.subi %sub3A_1229, %convert_element_type3A_1227 : vector<512x1xi32>
    %mul3A_1231 = arith.constant 32 : i32
    %mul3A_1232 = arith.muli %arg0, %mul3A_1231 : i32
    %add3A_1233 = arith.constant 27 : i32
    %add3A_1234 = arith.addi %mul3A_1232, %add3A_1233 : i32
    %mul3A_1235 = arith.constant 512 : i32
    %mul3A_1236 = arith.muli %add3A_1234, %mul3A_1235 : i32
    %add3A_1237 = vector.broadcast %mul3A_1236 : i32 to vector<512x1xi32>
    %add3A_1238 = arith.addi %add3A_1237, %sub3A_1230 : vector<512x1xi32>
    %mul3A_1239 = arith.mulf %get3A_143, %get3A_143 : vector<512x32xf32>
    %reduce_sum3A_1240 = arith.constant dense<0.000000e+00> : vector<512xf32>
    %reduce_sum3A_1241 = vector.multi_reduction <add>, %mul3A_1239, %reduce_sum3A_1240 [1] : vector<512x32xf32> to vector<512xf32>
    %mul3A_1242 = arith.constant 5.000000e-01 : f32
    %mul3A_1243 = vector.broadcast %mul3A_1242 : f32 to vector<512xf32>
    %mul3A_1244 = arith.mulf %mul3A_1243, %reduce_sum3A_1241 : vector<512xf32>
    %broadcast_in_dim3A_1245 = vector.shape_cast %mul3A_1244 : vector<512xf32> to vector<1x512xf32>
    %sub3A_1246 = vector.broadcast %broadcast_in_dim3A_1245 : vector<1x512xf32> to vector<512x512xf32>
    %sub3A_1247 = arith.subf %dot_general3A_330, %sub3A_1246 : vector<512x512xf32>
    %reduce_max3A_1248 = arith.constant dense<0xFF800000> : vector<512xf32>
    %reduce_max3A_1249 = vector.multi_reduction <maximumf>, %sub3A_1247, %reduce_max3A_1248 [1] : vector<512x512xf32> to vector<512xf32>
    %broadcast_in_dim3A_1250 = vector.shape_cast %reduce_max3A_1249 : vector<512xf32> to vector<512x1xf32>
    %eq3A_1251 = vector.broadcast %broadcast_in_dim3A_1250 : vector<512x1xf32> to vector<512x512xf32>
    %eq3A_1252 = arith.cmpf oeq, %sub3A_1247, %eq3A_1251 : vector<512x512xf32>
    %jit3A_1253 = arith.constant -1.000000e+00 : f32
    %broadcast_in_dim3A_1254 = vector.broadcast %jit3A_1253 : f32 to vector<512x512xf32>
    %select_n3A_1255 = arith.select %eq3A_1252, %convert_element_type3A, %broadcast_in_dim3A_1254 : vector<512x512xi1>, vector<512x512xf32>
    %reduce_max3A_1256 = arith.constant dense<0xFF800000> : vector<512xf32>
    %reduce_max3A_1257 = vector.multi_reduction <maximumf>, %select_n3A_1255, %reduce_max3A_1256 [1] : vector<512x512xf32> to vector<512xf32>
    %broadcast_in_dim3A_1258 = vector.shape_cast %reduce_max3A_1257 : vector<512xf32> to vector<512x1xf32>
    %convert_element_type3A_1259 = arith.fptosi %broadcast_in_dim3A_1258 : vector<512x1xf32> to vector<512x1xi32>
    %sub3A_1260 = arith.constant 511 : i32
    %sub3A_1261 = vector.broadcast %sub3A_1260 : i32 to vector<512x1xi32>
    %sub3A_1262 = arith.subi %sub3A_1261, %convert_element_type3A_1259 : vector<512x1xi32>
    %mul3A_1263 = arith.constant 32 : i32
    %mul3A_1264 = arith.muli %arg0, %mul3A_1263 : i32
    %add3A_1265 = arith.constant 28 : i32
    %add3A_1266 = arith.addi %mul3A_1264, %add3A_1265 : i32
    %mul3A_1267 = arith.constant 512 : i32
    %mul3A_1268 = arith.muli %add3A_1266, %mul3A_1267 : i32
    %add3A_1269 = vector.broadcast %mul3A_1268 : i32 to vector<512x1xi32>
    %add3A_1270 = arith.addi %add3A_1269, %sub3A_1262 : vector<512x1xi32>
    %mul3A_1271 = arith.mulf %get3A_148, %get3A_148 : vector<512x32xf32>
    %reduce_sum3A_1272 = arith.constant dense<0.000000e+00> : vector<512xf32>
    %reduce_sum3A_1273 = vector.multi_reduction <add>, %mul3A_1271, %reduce_sum3A_1272 [1] : vector<512x32xf32> to vector<512xf32>
    %mul3A_1274 = arith.constant 5.000000e-01 : f32
    %mul3A_1275 = vector.broadcast %mul3A_1274 : f32 to vector<512xf32>
    %mul3A_1276 = arith.mulf %mul3A_1275, %reduce_sum3A_1273 : vector<512xf32>
    %broadcast_in_dim3A_1277 = vector.shape_cast %mul3A_1276 : vector<512xf32> to vector<1x512xf32>
    %sub3A_1278 = vector.broadcast %broadcast_in_dim3A_1277 : vector<1x512xf32> to vector<512x512xf32>
    %sub3A_1279 = arith.subf %dot_general3A_336, %sub3A_1278 : vector<512x512xf32>
    %reduce_max3A_1280 = arith.constant dense<0xFF800000> : vector<512xf32>
    %reduce_max3A_1281 = vector.multi_reduction <maximumf>, %sub3A_1279, %reduce_max3A_1280 [1] : vector<512x512xf32> to vector<512xf32>
    %broadcast_in_dim3A_1282 = vector.shape_cast %reduce_max3A_1281 : vector<512xf32> to vector<512x1xf32>
    %eq3A_1283 = vector.broadcast %broadcast_in_dim3A_1282 : vector<512x1xf32> to vector<512x512xf32>
    %eq3A_1284 = arith.cmpf oeq, %sub3A_1279, %eq3A_1283 : vector<512x512xf32>
    %jit3A_1285 = arith.constant -1.000000e+00 : f32
    %broadcast_in_dim3A_1286 = vector.broadcast %jit3A_1285 : f32 to vector<512x512xf32>
    %select_n3A_1287 = arith.select %eq3A_1284, %convert_element_type3A, %broadcast_in_dim3A_1286 : vector<512x512xi1>, vector<512x512xf32>
    %reduce_max3A_1288 = arith.constant dense<0xFF800000> : vector<512xf32>
    %reduce_max3A_1289 = vector.multi_reduction <maximumf>, %select_n3A_1287, %reduce_max3A_1288 [1] : vector<512x512xf32> to vector<512xf32>
    %broadcast_in_dim3A_1290 = vector.shape_cast %reduce_max3A_1289 : vector<512xf32> to vector<512x1xf32>
    %convert_element_type3A_1291 = arith.fptosi %broadcast_in_dim3A_1290 : vector<512x1xf32> to vector<512x1xi32>
    %sub3A_1292 = arith.constant 511 : i32
    %sub3A_1293 = vector.broadcast %sub3A_1292 : i32 to vector<512x1xi32>
    %sub3A_1294 = arith.subi %sub3A_1293, %convert_element_type3A_1291 : vector<512x1xi32>
    %mul3A_1295 = arith.constant 32 : i32
    %mul3A_1296 = arith.muli %arg0, %mul3A_1295 : i32
    %add3A_1297 = arith.constant 29 : i32
    %add3A_1298 = arith.addi %mul3A_1296, %add3A_1297 : i32
    %mul3A_1299 = arith.constant 512 : i32
    %mul3A_1300 = arith.muli %add3A_1298, %mul3A_1299 : i32
    %add3A_1301 = vector.broadcast %mul3A_1300 : i32 to vector<512x1xi32>
    %add3A_1302 = arith.addi %add3A_1301, %sub3A_1294 : vector<512x1xi32>
    %mul3A_1303 = arith.mulf %get3A_153, %get3A_153 : vector<512x32xf32>
    %reduce_sum3A_1304 = arith.constant dense<0.000000e+00> : vector<512xf32>
    %reduce_sum3A_1305 = vector.multi_reduction <add>, %mul3A_1303, %reduce_sum3A_1304 [1] : vector<512x32xf32> to vector<512xf32>
    %mul3A_1306 = arith.constant 5.000000e-01 : f32
    %mul3A_1307 = vector.broadcast %mul3A_1306 : f32 to vector<512xf32>
    %mul3A_1308 = arith.mulf %mul3A_1307, %reduce_sum3A_1305 : vector<512xf32>
    %broadcast_in_dim3A_1309 = vector.shape_cast %mul3A_1308 : vector<512xf32> to vector<1x512xf32>
    %sub3A_1310 = vector.broadcast %broadcast_in_dim3A_1309 : vector<1x512xf32> to vector<512x512xf32>
    %sub3A_1311 = arith.subf %dot_general3A_342, %sub3A_1310 : vector<512x512xf32>
    %reduce_max3A_1312 = arith.constant dense<0xFF800000> : vector<512xf32>
    %reduce_max3A_1313 = vector.multi_reduction <maximumf>, %sub3A_1311, %reduce_max3A_1312 [1] : vector<512x512xf32> to vector<512xf32>
    %broadcast_in_dim3A_1314 = vector.shape_cast %reduce_max3A_1313 : vector<512xf32> to vector<512x1xf32>
    %eq3A_1315 = vector.broadcast %broadcast_in_dim3A_1314 : vector<512x1xf32> to vector<512x512xf32>
    %eq3A_1316 = arith.cmpf oeq, %sub3A_1311, %eq3A_1315 : vector<512x512xf32>
    %jit3A_1317 = arith.constant -1.000000e+00 : f32
    %broadcast_in_dim3A_1318 = vector.broadcast %jit3A_1317 : f32 to vector<512x512xf32>
    %select_n3A_1319 = arith.select %eq3A_1316, %convert_element_type3A, %broadcast_in_dim3A_1318 : vector<512x512xi1>, vector<512x512xf32>
    %reduce_max3A_1320 = arith.constant dense<0xFF800000> : vector<512xf32>
    %reduce_max3A_1321 = vector.multi_reduction <maximumf>, %select_n3A_1319, %reduce_max3A_1320 [1] : vector<512x512xf32> to vector<512xf32>
    %broadcast_in_dim3A_1322 = vector.shape_cast %reduce_max3A_1321 : vector<512xf32> to vector<512x1xf32>
    %convert_element_type3A_1323 = arith.fptosi %broadcast_in_dim3A_1322 : vector<512x1xf32> to vector<512x1xi32>
    %sub3A_1324 = arith.constant 511 : i32
    %sub3A_1325 = vector.broadcast %sub3A_1324 : i32 to vector<512x1xi32>
    %sub3A_1326 = arith.subi %sub3A_1325, %convert_element_type3A_1323 : vector<512x1xi32>
    %mul3A_1327 = arith.constant 32 : i32
    %mul3A_1328 = arith.muli %arg0, %mul3A_1327 : i32
    %add3A_1329 = arith.constant 30 : i32
    %add3A_1330 = arith.addi %mul3A_1328, %add3A_1329 : i32
    %mul3A_1331 = arith.constant 512 : i32
    %mul3A_1332 = arith.muli %add3A_1330, %mul3A_1331 : i32
    %add3A_1333 = vector.broadcast %mul3A_1332 : i32 to vector<512x1xi32>
    %add3A_1334 = arith.addi %add3A_1333, %sub3A_1326 : vector<512x1xi32>
    %mul3A_1335 = arith.mulf %get3A_158, %get3A_158 : vector<512x32xf32>
    %reduce_sum3A_1336 = arith.constant dense<0.000000e+00> : vector<512xf32>
    %reduce_sum3A_1337 = vector.multi_reduction <add>, %mul3A_1335, %reduce_sum3A_1336 [1] : vector<512x32xf32> to vector<512xf32>
    %mul3A_1338 = arith.constant 5.000000e-01 : f32
    %mul3A_1339 = vector.broadcast %mul3A_1338 : f32 to vector<512xf32>
    %mul3A_1340 = arith.mulf %mul3A_1339, %reduce_sum3A_1337 : vector<512xf32>
    %broadcast_in_dim3A_1341 = vector.shape_cast %mul3A_1340 : vector<512xf32> to vector<1x512xf32>
    %sub3A_1342 = vector.broadcast %broadcast_in_dim3A_1341 : vector<1x512xf32> to vector<512x512xf32>
    %sub3A_1343 = arith.subf %dot_general3A_348, %sub3A_1342 : vector<512x512xf32>
    %reduce_max3A_1344 = arith.constant dense<0xFF800000> : vector<512xf32>
    %reduce_max3A_1345 = vector.multi_reduction <maximumf>, %sub3A_1343, %reduce_max3A_1344 [1] : vector<512x512xf32> to vector<512xf32>
    %broadcast_in_dim3A_1346 = vector.shape_cast %reduce_max3A_1345 : vector<512xf32> to vector<512x1xf32>
    %eq3A_1347 = vector.broadcast %broadcast_in_dim3A_1346 : vector<512x1xf32> to vector<512x512xf32>
    %eq3A_1348 = arith.cmpf oeq, %sub3A_1343, %eq3A_1347 : vector<512x512xf32>
    %jit3A_1349 = arith.constant -1.000000e+00 : f32
    %broadcast_in_dim3A_1350 = vector.broadcast %jit3A_1349 : f32 to vector<512x512xf32>
    %select_n3A_1351 = arith.select %eq3A_1348, %convert_element_type3A, %broadcast_in_dim3A_1350 : vector<512x512xi1>, vector<512x512xf32>
    %reduce_max3A_1352 = arith.constant dense<0xFF800000> : vector<512xf32>
    %reduce_max3A_1353 = vector.multi_reduction <maximumf>, %select_n3A_1351, %reduce_max3A_1352 [1] : vector<512x512xf32> to vector<512xf32>
    %broadcast_in_dim3A_1354 = vector.shape_cast %reduce_max3A_1353 : vector<512xf32> to vector<512x1xf32>
    %convert_element_type3A_1355 = arith.fptosi %broadcast_in_dim3A_1354 : vector<512x1xf32> to vector<512x1xi32>
    %sub3A_1356 = arith.constant 511 : i32
    %sub3A_1357 = vector.broadcast %sub3A_1356 : i32 to vector<512x1xi32>
    %sub3A_1358 = arith.subi %sub3A_1357, %convert_element_type3A_1355 : vector<512x1xi32>
    %mul3A_1359 = arith.constant 32 : i32
    %mul3A_1360 = arith.muli %arg0, %mul3A_1359 : i32
    %add3A_1361 = arith.constant 31 : i32
    %add3A_1362 = arith.addi %mul3A_1360, %add3A_1361 : i32
    %mul3A_1363 = arith.constant 512 : i32
    %mul3A_1364 = arith.muli %add3A_1362, %mul3A_1363 : i32
    %add3A_1365 = vector.broadcast %mul3A_1364 : i32 to vector<512x1xi32>
    %add3A_1366 = arith.addi %add3A_1365, %sub3A_1358 : vector<512x1xi32>
    %concatenate3A = tpu.concatenate %add3A_374, %add3A_406, %add3A_438, %add3A_470, %add3A_502, %add3A_534, %add3A_566, %add3A_598, %add3A_630, %add3A_662, %add3A_694, %add3A_726, %add3A_758, %add3A_790, %add3A_822, %add3A_854, %add3A_886, %add3A_918, %add3A_950, %add3A_982, %add3A_1014, %add3A_1046, %add3A_1078, %add3A_1110, %add3A_1142, %add3A_1174, %add3A_1206, %add3A_1238, %add3A_1270, %add3A_1302, %add3A_1334, %add3A_1366 in 1 : vector<512x1xi32>, vector<512x1xi32>, vector<512x1xi32>, vector<512x1xi32>, vector<512x1xi32>, vector<512x1xi32>, vector<512x1xi32>, vector<512x1xi32>, vector<512x1xi32>, vector<512x1xi32>, vector<512x1xi32>, vector<512x1xi32>, vector<512x1xi32>, vector<512x1xi32>, vector<512x1xi32>, vector<512x1xi32>, vector<512x1xi32>, vector<512x1xi32>, vector<512x1xi32>, vector<512x1xi32>, vector<512x1xi32>, vector<512x1xi32>, vector<512x1xi32>, vector<512x1xi32>, vector<512x1xi32>, vector<512x1xi32>, vector<512x1xi32>, vector<512x1xi32>, vector<512x1xi32>, vector<512x1xi32>, vector<512x1xi32>, vector<512x1xi32> -> vector<512x32xi32>
    %swap3A = arith.constant 0 : index
    %swap3A_1367 = arith.constant 0 : index
    %swap3A_1368 = vector.load %arg4[%swap3A, %swap3A_1367] : memref<512x32xi32, #tpu.memory_space<vmem>>, vector<512x32xi32>
    tpu.vector_store %arg4[%swap3A, %swap3A_1367], %concatenate3A {strides = array<i32>} : memref<512x32xi32, #tpu.memory_space<vmem>>, vector<512x32xi32>,
    return
  }
  func.func @transform_0(%arg0: i32, %arg1: i32) -> (i32, i32) {
    %c0_i32 = arith.constant 0 : i32
    return %arg1, %arg0 : i32, i32
  }
  func.func @transform_1(%arg0: i32, %arg1: i32) -> (i32, i32, i32) {
    %c0_i32 = arith.constant 0 : i32
    %c0_i32_0 = arith.constant 0 : i32
    %c0_i32_1 = arith.constant 0 : i32
    return %arg0, %c0_i32, %c0_i32_0 : i32, i32, i32
  }
  func.func @transform_2(%arg0: i32, %arg1: i32) -> (i32, i32) {
    %c0_i32 = arith.constant 0 : i32
    return %arg1, %arg0 : i32, i32
  }
}

</mosaic_0001>

<sc_bundles>
// kernel: kernel.4.cloned.1.call-start
scs
__scs_entry_jumppad:
0x0: {  	(pc) =	sbr.rel $0x88, $3  }
0x1: {  	(tag) =	ssettag $0x0;
	lr =	simm.s32 $0x1  }
0x2: {  	[smem:$0x3F9F] =	sst lr;
	_ =	strace $0xD0000000  }
0x3: {  	_ = 	snop  }
0x4: {  	_ = 	snop  }
0x5: {  	_ = 	snop  }
0x6: {  	_ = 	snop  }
0x7: {  	_ = 	snop  }
__scs_overlays_trampoline_lowered:
0x8: {  	[smem:$0x3FAE] =	sst s0  }
0x9: {  	[smem:$0x3FAF] =	sst s1  }
0xa: {  	[smem:$0x3FB0] =	sst s2  }
0xb: {  	[smem:$0x3FB1] =	sst s3  }
0xc: {  	[smem:$0x3FB2] =	sst s4  }
0xd: {  	[smem:$0x3FB3] =	sst s5  }
0xe: {  	[smem:$0x3FB4] =	sst s6  }
0xf: {  	[smem:$0x3FB5] =	sst s7  }
0x10: {  	[smem:$0x3FB6] =	sst s8  }
0x11: {  	[smem:$0x3FB7] =	sst s9;
	s0 =	simm.s32 @!p0 $0x0  }
0x12: {  	s1 =	sld [smem:$0x3F9D];
	s0 =	simm.s32 @p0 $0x1  }
0x13: {  	[smem:$0x3FB8] =	sst s0;
	s0 =	simm.s32 @!p1 $0x0  }
0x14: {  	s2 =	sld [smem:$0x3F9C];
	s0 =	simm.s32 @p1 $0x1  }
0x15: {  	[smem:$0x3FB9] =	sst s0;
	s0 =	simm.s32 @!p2 $0x0  }
0x16: {  	s3 =	sld [smem:$0x3FDB];
	s0 =	simm.s32 @p2 $0x1  }
0x17: {  	s4 =	simm.s32 $0x1BF5;
	[smem:$0x3FBB] =	sst s0  }
0x18: {  	s0 =	sld [smem:$0x3F9E];
	_ =	swait.ge [sflag:s4], $0x0  }
0x19: {  	s7 =	sld [smem:$0x3F9F]  }
0x1a: {  	s8 =	sadd.s32 $0xFFFFE003, lr  }
0x1b: {  	s9 =	sadd.s32 $0xFFFFFEF7, lr;
	s5 =	simm.s32 $0xFFFFFFFF;
	p2 =	slt.u32 s8, $0xFFFFF086  }
0x1c: {  	p1 =	slt.u32 s9, $0xF7A;
	s5 =	simm.s32 @!p2 $0x0  }
0x1d: {  	s5 =	simm.s32 @p1 $0x1;
	p0 =	seq.s32 s7, s2  }
0x1e: {  	s7 =	smul.u32 @!p0 $0xF7A, s2;
	p2 =	seq.s32 @!p0 s5, $0x0  }
0x1f: {  	s9 =	smul.u32 $0xF7A, s1;
	s8 =	simm.s32 @!p0 $0x1BF5;
	p2 =	por !p2, p0  }
0x20: {  	[sflag:s8] =	ssyncset.s32 @!p0 $0xFFFFF086;
	s6 =	sadd.s32 @!p0 s3, s7;
	s7 =	simm.s32 @!p0 $0x108  }
0x21: {  	s3 =	sadd.s32 s3, s9;
	s6 =	sadd.s32 @!p0 $0x88, s6;
	s7 =	simm.s32 @p2 $0x1082  }
0x22: {  	[simem:s7], [sflag:s8] =	dma.local @!p0 [hbm:s6], $0xF7A  }
0x23: {  	s9 =	sor.u32 $0xD0000000, s2;
	s6 =	simm.s32 $0x108;
	_ =	swait.ge @!p0 [sflag:s8], $0x0  }
0x24: {  	s3 =	sadd.s32 $0x88, s3;
	s6 =	simm.s32 @!p1 $0x1082;
	[sflag:s4] =	ssyncset.s32 $0xFFFFF086  }
0x25: {  	[simem:s6], [sflag:s4] =	dma.local [hbm:s3], $0xF7A  }
0x26: {  	[smem:$0x3F9F] =	sst s1;
	(tag) =	ssettag s2;
	_ =	strace s9  }
0x27: {  	s1 =	sld [smem:$0x3FAF]  }
0x28: {  	s2 =	sld [smem:$0x3FB0]  }
0x29: {  	s4 =	sld [smem:$0x3FB2]  }
0x2a: {  	p0 =	seq.s32 s5, $0x0;
	s5 =	sld [smem:$0x3FB3]  }
0x2b: {  	s6 =	sld [smem:$0x3FB4]  }
0x2c: {  	s7 =	sld [smem:$0x3FB5]  }
0x2d: {  	s3 =	simm.s32 $0x108;
	s8 =	sld [smem:$0x3FB6]  }
0x2e: {  	s3 =	simm.s32 @!p0 $0x1082;
	s9 =	sld [smem:$0x3FB7]  }
0x2f: {  	lr =	sadd.s32 s0, s3;
	s0 =	sld [smem:$0x3FAE]  }
0x30: {  	s3 =	sld [smem:$0x3FB1]  }
0x31: {  	[smem:$0x3FBA] =	sst s10  }
0x32: {  	s10 =	sld [smem:$0x3FB8];
	_ =	sdelay $0x3  }
0x33: {  	p0 =	seq.s32 s10, $0x1;
	s10 =	sld [smem:$0x3FBA];
	_ =	sdelay $0x3  }
0x34: {  	[smem:$0x3FBA] =	sst s10  }
0x35: {  	s10 =	sld [smem:$0x3FB9];
	_ =	sdelay $0x3  }
0x36: {  	p1 =	seq.s32 s10, $0x1;
	s10 =	sld [smem:$0x3FBA];
	_ =	sdelay $0x3  }
0x37: {  	[smem:$0x3FBA] =	sst s10  }
0x38: {  	s10 =	sld [smem:$0x3FBB]  }
0x39: {  	_ = 	snop;
	(pc) =	sbr.ind lr, $3  }
0x3a: {  	_ = 	snop  }
0x3b: {  	_ = 	snop  }
0x3c: {  	p2 =	seq.s32 s10, $0x1;
	s10 =	sld [smem:$0x3FBA]  }
0x3d: {  	_ =	shalt  }
0x3e: {  	_ =	shalt  }
0x3f: {  	_ =	shalt  }
0x40: {  	_ =	shalt  }
0x41: {  	_ =	shalt  }
0x42: {  	_ =	shalt  }
0x43: {  	_ =	shalt  }
0x44: {  	_ =	shalt  }
0x45: {  	_ =	shalt  }
0x46: {  	_ =	shalt  }
0x47: {  	_ =	shalt  }
0x48: {  	_ =	shalt  }
0x49: {  	_ =	shalt  }
0x4a: {  	_ =	shalt  }
0x4b: {  	_ =	shalt  }
0x4c: {  	_ =	shalt  }
0x4d: {  	_ =	shalt  }
0x4e: {  	_ =	shalt  }
0x4f: {  	_ =	shalt  }
0x50: {  	_ =	shalt  }
0x51: {  	_ =	shalt  }
0x52: {  	_ =	shalt  }
0x53: {  	_ =	shalt  }
0x54: {  	_ =	shalt  }
0x55: {  	_ =	shalt  }
0x56: {  	_ =	shalt  }
0x57: {  	_ =	shalt  }
0x58: {  	_ =	shalt  }
0x59: {  	_ =	shalt  }
0x5a: {  	_ =	shalt  }
0x5b: {  	_ =	shalt  }
0x5c: {  	_ =	shalt  }
0x5d: {  	_ =	shalt  }
0x5e: {  	_ =	shalt  }
0x5f: {  	_ =	shalt  }
0x60: {  	_ =	shalt  }
0x61: {  	_ =	shalt  }
0x62: {  	_ =	shalt  }
0x63: {  	_ =	shalt  }
0x64: {  	_ =	shalt  }
0x65: {  	_ =	shalt  }
0x66: {  	_ =	shalt  }
0x67: {  	_ =	shalt  }
0x68: {  	_ =	shalt  }
0x69: {  	_ =	shalt  }
0x6a: {  	_ =	shalt  }
0x6b: {  	_ =	shalt  }
0x6c: {  	_ =	shalt  }
0x6d: {  	_ =	shalt  }
0x6e: {  	_ =	shalt  }
0x6f: {  	_ =	shalt  }
0x70: {  	_ =	shalt  }
0x71: {  	_ =	shalt  }
0x72: {  	_ =	shalt  }
0x73: {  	_ =	shalt  }
0x74: {  	_ =	shalt  }
0x75: {  	_ =	shalt  }
0x76: {  	_ =	shalt  }
0x77: {  	_ =	shalt  }
0x78: {  	_ =	shalt  }
0x79: {  	_ =	shalt  }
0x7a: {  	_ =	shalt  }
0x7b: {  	_ =	shalt  }
0x7c: {  	_ =	shalt  }
0x7d: {  	_ =	shalt  }
0x7e: {  	_ =	shalt  }
0x7f: {  	_ =	shalt  }
0x80: {  	_ =	shalt  }
0x81: {  	_ =	shalt  }
0x82: {  	_ =	shalt  }
0x83: {  	_ =	shalt  }
0x84: {  	_ =	shalt  }
0x85: {  	_ =	shalt  }
0x86: {  	_ =	shalt  }
0x87: {  	_ =	shalt  }
.Lfunc_end0:
.L_simem_size_0:
called_computation_lowered:
.L_overlay_start_0:
0x88: {  	s2 =	sld [smem:$0x3FD9]  }
0x89: {  	s3 =	sld [smem:$0x3FFE];
	_ =	sdelay $0x1  }
0x8a: {  	s1 =	srdreg.scid  }
0x8b: {  	s0 =	sand.u32 $0x1, s1  }
0x8c: {  	s17 =	sshll.u32 s0, $0xA;
	s2 =	sadd.s32 s3, s2  }
0x8d: {  	s2 =	sadd.s32 s2, s17  }
0x8e: {  	[smem:$0x3FC6] =	sst s2  }
0x8f: {  	_ = 	snop  }
0x90: {  	s2 =	sld [smem:$0x3FD0];
	(tm) =	ssettm $0x1  }
0x91: {  	s18 =	sld [smem:$0x3FFB];
	_ =	sdelay $0x3  }
0x92: {  	_ =	strace s18  }
0x93: {  	s3 =	sld [smem:$0x3FFC];
	_ =	sdelay $0x3  }
0x94: {  	_ =	strace s3  }
0x95: {  	s3 =	sld [smem:$0x3FFD];
	_ =	sdelay $0x3  }
0x96: {  	_ =	strace s3  }
0x97: {  	_ =	strace $0x8FFFFFFF  }
0x98: {  	s19 =	sld [smem:$0x3FDB];
	_ =	sdelay $0x1  }
0x99: {  	s4 =	simm.s32 $_scs_section_size  }
0x9a: {  	s5 =	simm.s32 $_size__tile_overlayer_lowered;
	s6 =	simm.s32 $_tile_overlayer_lowered  }
0x9b: {  	s22 =	simm.s32 $0x1BFF;
	s21 =	sshll.u32 s6, $0x1;
	s3 =	sadd.s32 s4, s19  }
0x9c: {  	s7 =	simm.s32 $0x0;
	s20 =	sshll.u32 s5, $0x1;
	s5 =	sadd.s32 s21, s3  }
0x9d: {  	[timem:s7], [sflag:s22] =	dma.local [hbm:s5], s20  }
0x9e: {  	_ =	swait.ge [sflag:s22], s20  }
0x9f: {  	s4 =	ssub.s32 $0x0, s20;
	[sflag:s22] =	ssyncset.done $0x0  }
0xa0: {  	[sflag:s22] =	ssyncadd.s32 s4;
	_ =	sdelay $0x1  }
0xa1: {  	s23 =	simm.s32 $0x1B8B  }
0xa2: {  	_ =	swait.ge [sflag:s23], $0x1  }
0xa3: {  	[sflag:s23] =	ssyncset.done $0x0  }
0xa4: {  	s25 =	simm.s32 $0x1B8E;
	s24 =	sld [smem:$0x3FFE];
	[sflag:s23] =	ssyncadd.s32 $0xFFFFFFFF  }
0xa5: {  	s26 =	simm.s32 $execute0_lowered;
	[smem:$0x3FD2] =	sst s25  }
0xa6: {  	s5 =	sshll.u32 s26, $0x1;
	_ =	strace $0x80000046;
	[dreg:$0x1] =	wrdreg $0xFFFFFFFF  }
0xa7: {  	s28 =	simm.s32 $_size_execute0_lowered;
	s3 =	sadd.s32 s3, s5;
	[dreg:$0x0] =	wrdreg $0x0  }
0xa8: {  	s5 =	sshll.u32 s28, $0x1;
	[dreg:$0x2] =	wrdreg s3  }
0xa9: {  	[dreg:$0x3] =	wrdreg s5  }
0xaa: {  	[dreg:$0x4] =	wrdreg $0xC0  }
0xab: {  	_ =	task [dreg:s7], $0x5FFFF  }
0xac: {  	[dreg:$0x1] =	wrdreg $0xFFFFFFFF  }
0xad: {  	[dreg:$0x0] =	wrdreg $0x60  }
0xae: {  	[dreg:$0x2] =	wrdreg s2  }
0xaf: {  	[dreg:$0x3] =	wrdreg s24  }
0xb0: {  	[dreg:$0x4] =	wrdreg $0x9  }
0xb1: {  	_ =	task.clear_ibuf [dreg:s7], $0x5FFFF;
	_ =	strace $0x90000046  }
0xb2: {  	s29 =	simm.s32 $0x9;
	_ =	strace $0x80000048  }
0xb3: {  	_ =	swait.ge [sflag:s29], $0x1  }
0xb4: {  	[sflag:s29] =	ssyncadd.s32 $0xFFFFFFFF  }
0xb5: {  	_ =	strace $0x90000048  }
0xb6: {  	_ =	sfence  }
0xb7: {  	s30 =	sld [smem:$0x0];
	_ =	sdelay $0x2  }
0xb8: {  	s31 =	sshll.u32 s1, $0xD;
	s1 =	sshrl.u32 s1, $0x2  }
0xb9: {  	s3 =	sand.u32 $0x4000, s31;
	s1 =	sadd.s32 s1, s30  }
0xba: {  	s0 =	sor.u32 s3, s0;
	s1 =	sshll.u32 s1, $0x11  }
0xbb: {  	s0 =	sor.u32 s1, s0  }
0xbc: {  	s0 =	sadd.s32 $0x8F2B, s0  }
0xbd: {  	[sflag:s0] =	ssyncadd.remote.s32 $0x1  }
0xbe: {  	_ =	sfence.sel $0xFFFF  }
0xbf: {  	[dreg:$0x0] =	wrdreg $0xFFFFFFFF;
	(pc) =	sbr.abs _section_cstart, $3  }
0xc0: {  	[dreg:$0x1] =	wrdreg $0xFFFFFFFF  }
0xc1: {  	_ =	task.clear_ibuf [dreg:s7], $0x2FFFF;
	_ =	strace $0x9FFFFFFF  }
0xc2: {  	(tm) =	ssettm $0x7FFFFFFF  }
0xc3: {  	_ =	shalt  }
tec
execute0_lowered:
.L_overlay_start_1:
0x0: {  	(tag) =	ssettag $0x1  }
0x1: {  	s1 =	rddreg [dreg:$0x0]  }
0x2: {  	s4 =	rddreg [dreg:$0x1]  }
0x3: {  	s0 =	rddreg [dreg:$0x2];
	s5 =	srdreg.scid  }
0x4: {  	s3 =	simm.s32 $0x0;
	s2 =	stileid.u32;
	s10 =	simm.s32 $0x2000  }
0x5: {  	s11 =	simm.s32 $0x3000;
	s12 =	simm.s32 $0x4000;
	s13 =	simm.s32 $0x1  }
0x6: {  	s14 =	simm.s32 $0x0;
	s5 =	sand.u32 $0x1, s5;
	[smem:$0x7FF] =	sst s3  }
0x7: {  	s6 =	sshll.u32 s2, $0xA;
	s8 =	sshll.u32 s2, $0xF;
	s7 =	sshll.u32 s5, $0x9  }
0x8: {  	_ =	strace $0x80000047;
	s29 =	ssub.s32 $0x2, s5;
	s8 =	sadd.s32 s8, s4  }
0x9: {  	s30 =	sshll.u32 s5, $0xE;
	s6 =	sor.u32 s7, s6;
	s9 =	sshrl.u32 s29, $0x1  }
0xa: {  	s31 =	sadd.s32 s30, s8;
	s8 =	simm.s32 $0x80;
	s6 =	sadd.s32 s6, s4  }
0xb: {  	s7 =	ssub.s32 s29, s9;
	s9 =	simm.s32 $0x1000;
	s4 =	sadd.s32 $0x400, s6  }
0xc: {  	s5 =	smax.u32 s7, $0x1;
	s6 =	sadd.s32 $0x4400, s31;
	s7 =	simm.s32 $0x2  }
.LBB2_1:
0xd: {  	[tilespmem:s3], [sflag:$0x2] =	stream.linear.gather [hbm4b:s4+s3], $0x1000, $0x38;
	[tilespmem:$0x5000] =	vst v63  }
0xe: {  	_ =	swait.ge [sflag:s7], $0x1000  }
0xf: {  	[sflag:s7] =	ssyncset.done $0x0  }
0x10: {  	s15 =	simm.s32 $0x0;
	[sflag:s7] =	ssyncadd.s32 $0xFFFFF000  }
0x11: {  	[tilespmem:s9], [sflag:$0x1] =	stream.indirect.gather [hbm4b:s1+s8], $0x20, s15, s8, $0xb8;
	[tilespmem:$0x5000] =	vst v63  }
0x12: {  	s28 =	simm.s32 $0x80  }
0x13: {  	[tilespmem:s10], [sflag:$0x1] =	stream.indirect.gather [hbm4b:s1+s8], $0x20, s28, s8, $0xb8;
	[tilespmem:$0x5000] =	vst v63  }
0x14: {  	s29 =	simm.s32 $0x100  }
0x15: {  	[tilespmem:s11], [sflag:$0x1] =	stream.indirect.gather [hbm4b:s1+s8], $0x20, s29, s8, $0xb8;
	[tilespmem:$0x5000] =	vst v63  }
0x16: {  	s30 =	simm.s32 $0x180  }
0x17: {  	[tilespmem:s12], [sflag:$0x1] =	stream.indirect.gather [hbm4b:s1+s8], $0x20, s30, s8, $0xb8;
	[tilespmem:$0x5000] =	vst v63  }
0x18: {  	_ =	swait.ge [sflag:s13], $0x1000  }
0x19: {  	[sflag:s13] =	ssyncset.done $0x0  }
0x1a: {  	[sflag:s13] =	ssyncadd.s32 $0xFFFFF000  }
0x1b: {  	_ =	swait.ge [sflag:s13], $0x1000  }
0x1c: {  	[sflag:s13] =	ssyncset.done $0x0  }
0x1d: {  	[sflag:s13] =	ssyncadd.s32 $0xFFFFF000  }
0x1e: {  	_ =	swait.ge [sflag:s13], $0x1000  }
0x1f: {  	[sflag:s13] =	ssyncset.done $0x0  }
0x20: {  	[sflag:s13] =	ssyncadd.s32 $0xFFFFF000  }
0x21: {  	_ =	swait.ge [sflag:s13], $0x1000  }
0x22: {  	[sflag:s13] =	ssyncset.done $0x0  }
0x23: {  	s31 =	sadd.s32 $0x0, s6;
	[sflag:s13] =	ssyncadd.s32 $0xFFFFF000  }
0x24: {  	[hbm4b:s31+s3] =	stream.linear.scatter [tilespmem:s9], [sflag:$0x2], $0x4000, $0x38;
	[tilespmem:$0x5000] =	vst v63  }
0x25: {  	_ =	swait.ge [sflag:s7], $0x4000  }
0x26: {  	s16 =	simm.s32 $0x1000;
	s15 =	simm.s32 $0x800;
	[sflag:s7] =	ssyncset.done $0x0  }
.LBB2_2:
0x27: {  	s17 =	sshra.s32 s15, $0x2  }
0x28: {  	[sflag:s7] =	ssyncadd.s32 $0xFFFFC000;
	s18 =	smov.u32 s16;
	s19 =	sadd.s32 $0x800, s16  }
0x29: {  	[tilespmem:s9], [sflag:$0x1] =	stream.indirect.gather [hbm4b:s1+s8], $0x20, s17, s8, $0xb8;
	[tilespmem:$0x5000] =	vst v63  }
0x2a: {  	p0 =	sne.s32 s16, $0x3800;
	s16 =	sadd.s32 $0x80, s17  }
0x2b: {  	[tilespmem:s10], [sflag:$0x1] =	stream.indirect.gather [hbm4b:s1+s8], $0x20, s16, s8, $0xb8;
	[tilespmem:$0x5000] =	vst v63  }
0x2c: {  	s16 =	sadd.s32 $0x100, s17  }
0x2d: {  	[tilespmem:s11], [sflag:$0x1] =	stream.indirect.gather [hbm4b:s1+s8], $0x20, s16, s8, $0xb8;
	[tilespmem:$0x5000] =	vst v63  }
0x2e: {  	s16 =	sadd.s32 $0x180, s17  }
0x2f: {  	[tilespmem:s12], [sflag:$0x1] =	stream.indirect.gather [hbm4b:s1+s8], $0x20, s16, s8, $0xb8;
	[tilespmem:$0x5000] =	vst v63  }
0x30: {  	_ =	swait.ge [sflag:s13], $0x1000  }
0x31: {  	[sflag:s13] =	ssyncset.done $0x0  }
0x32: {  	[sflag:s13] =	ssyncadd.s32 $0xFFFFF000  }
0x33: {  	_ =	swait.ge [sflag:s13], $0x1000  }
0x34: {  	[sflag:s13] =	ssyncset.done $0x0  }
0x35: {  	[sflag:s13] =	ssyncadd.s32 $0xFFFFF000  }
0x36: {  	_ =	swait.ge [sflag:s13], $0x1000  }
0x37: {  	[sflag:s13] =	ssyncset.done $0x0  }
0x38: {  	[sflag:s13] =	ssyncadd.s32 $0xFFFFF000  }
0x39: {  	_ =	swait.ge [sflag:s13], $0x1000  }
.Ltmp0:
0x3a: {  	[sflag:s13] =	ssyncset.done $0x0;
	(pc) =	sbr.rel @p0 .LBB2_2-.Ltmp0, $4  }
0x3b: {  	s16 =	sadd.s32 s15, s6;
	s15 =	smov.u32 s18;
	[sflag:s13] =	ssyncadd.s32 $0xFFFFF000  }
0x3c: {  	[hbm4b:s16+s3] =	stream.linear.scatter [tilespmem:s9], [sflag:$0x2], $0x4000, $0x38;
	[tilespmem:$0x5000] =	vst v63  }
0x3d: {  	_ =	swait.ge [sflag:s7], $0x4000  }
0x3e: {  	s16 =	smov.u32 s19;
	[sflag:s7] =	ssyncset.done $0x0  }
0x3f: {  	s16 =	sshra.s32 s15, $0x2;
	[sflag:s7] =	ssyncadd.s32 $0xFFFFC000  }
0x40: {  	[tilespmem:s9], [sflag:$0x1] =	stream.indirect.gather [hbm4b:s1+s8], $0x20, s16, s8, $0xb8;
	[tilespmem:$0x5000] =	vst v63  }
0x41: {  	s17 =	sadd.s32 $0x80, s16  }
0x42: {  	[tilespmem:s10], [sflag:$0x1] =	stream.indirect.gather [hbm4b:s1+s8], $0x20, s17, s8, $0xb8;
	[tilespmem:$0x5000] =	vst v63  }
0x43: {  	s30 =	sadd.s32 $0x100, s16  }
0x44: {  	[tilespmem:s11], [sflag:$0x1] =	stream.indirect.gather [hbm4b:s1+s8], $0x20, s30, s8, $0xb8;
	[tilespmem:$0x5000] =	vst v63  }
0x45: {  	s16 =	sadd.s32 $0x180, s16  }
0x46: {  	[tilespmem:s12], [sflag:$0x1] =	stream.indirect.gather [hbm4b:s1+s8], $0x20, s16, s8, $0xb8;
	[tilespmem:$0x5000] =	vst v63  }
0x47: {  	_ =	swait.ge [sflag:s13], $0x1000  }
0x48: {  	[sflag:s13] =	ssyncset.done $0x0  }
0x49: {  	[sflag:s13] =	ssyncadd.s32 $0xFFFFF000  }
0x4a: {  	_ =	swait.ge [sflag:s13], $0x1000  }
0x4b: {  	[sflag:s13] =	ssyncset.done $0x0  }
0x4c: {  	[sflag:s13] =	ssyncadd.s32 $0xFFFFF000  }
0x4d: {  	_ =	swait.ge [sflag:s13], $0x1000  }
0x4e: {  	[sflag:s13] =	ssyncset.done $0x0  }
0x4f: {  	[sflag:s13] =	ssyncadd.s32 $0xFFFFF000  }
0x50: {  	s14 =	sadd.s32 $0x1, s14;
	_ =	swait.ge [sflag:s13], $0x1000  }
0x51: {  	p0 =	sne.s32 s14, s5;
	[sflag:s13] =	ssyncset.done $0x0  }
.Ltmp1:
0x52: {  	s31 =	sadd.s32 s15, s6;
	[sflag:s13] =	ssyncadd.s32 $0xFFFFF000;
	(pc) =	sbr.rel @p0 .LBB2_1-.Ltmp1, $4  }
0x53: {  	[hbm4b:s31+s3] =	stream.linear.scatter [tilespmem:s9], [sflag:$0x2], $0x4000, $0x38;
	[tilespmem:$0x5000] =	vst v63  }
0x54: {  	_ =	swait.ge [sflag:s7], $0x4000  }
0x55: {  	[sflag:s7] =	ssyncset.done $0x0  }
0x56: {  	[sflag:s7] =	ssyncadd.s32 $0xFFFFC000  }
0x57: {  	_ =	sfence.sel $0x180000  }
0x58: {  	[bflag:$0x0] =	sbarrier.arrive $0xFFFF  }
0x59: {  	p0 =	sne.s32 s2, $0x0;
	_ =	strace $0x90000047  }
0x5a: {  	s0 =	sadd.s32 @!p0 $0x100000, s0;
	[bflag:$0x2] =	sbarrier.arrive $0xFFFF  }
0x5b: {  	[sflag:s0] =	ssyncadd.tile.s32 @!p0 $0x1;
	_ =	shalt  }
.Lfunc_end2:
_tile_overlayer_lowered:
.L_overlay_start_2:
0x5c: {  	(tag) =	ssettag $0x2  }
0x5d: {  	s0 =	rddreg [dreg:$0x0];
	s2 =	stileid.u32  }
0x5e: {  	s1 =	rddreg [dreg:$0x1];
	p0 =	sne.s32 s2, $0x0  }
0x5f: {  	s3 =	rddreg [dreg:$0x2];
	[bflag:$0x3] =	sbarrier.arrive $0xFFFF;
	s2 =	simm.s32 @!p0 $0x1C02  }
0x60: {  	[timem:s3], [sflag:s2] =	dma.local @!p0 [hbm:s0], s1  }
0x61: {  	s0 =	simm.s32 @!p0 $0x2  }
0x62: {  	_ =	swait.ge @!p0 [sflag:s0], s1  }
0x63: {  	s1 =	ssub.s32 @!p0 $0x0, s1;
	[sflag:s0] =	ssyncset.done @!p0 $0x0  }
0x64: {  	[sflag:s0] =	ssyncadd.s32 @!p0 s1  }
0x65: {  	[bflag:$0x3] =	sbarrier.arrive $0xFFFF  }
0x66: {  	_ =	shalt  }

</sc_bundles>
